<compile_context>
chip_gen: v7x
topology: tpu7x:2x2x1
jax: 0.10.2.dev20260603
libtpu: 0.0.44.dev20260713+nightly
codegen_flags: <defaults>
</compile_context>

<pallas_src>
import functools

import jax
import jax.numpy as jnp
from jax import lax
from jax.experimental import pallas as pl
from jax.experimental.pallas import tpu as pltpu
from jax.experimental.pallas import tpu_sc as plsc

NC, NS = 2, 16
NW = NC * NS


NBUF = 2


def _layout_edges(src, dst, n):
    e = src.shape[0]
    ck = 128
    ch = -(-e // (NW * ck))
    ch = NBUF * (-(-ch // NBUF))
    pad = NW * ch * ck - e
    if pad:
        _, npad = _row_split(n)
        ndump = _acc_rows(n, npad) - n
        i = jnp.arange(pad, dtype=jnp.int32)
        src = jnp.concatenate([src, (i * 131) % n])
        dst = jnp.concatenate([dst, n + i % ndump])
    return src.reshape(NW, ch, ck), dst.reshape(NW, ch, ck), ch, ck


def _row_split(n):
    rpt = 8 * (-(-n // (8 * NS)))
    npad = rpt * NS
    return rpt, npad


def _acc_rows(n, npad):
    return npad if npad > n else npad + 8


def _deg_kernel(n, d, ch, ck):
    rpt, npad = _row_split(n)
    nacc = _acc_rows(n, npad)
    mesh = plsc.VectorSubcoreMesh(core_axis_name="c", subcore_axis_name="s")

    @functools.partial(
        pl.kernel,
        out_type=jax.ShapeDtypeStruct((NC, npad, d), jnp.float32),
        mesh=mesh,
        scratch_types=[
            pltpu.VMEM((ch, ck), jnp.int32),
            pltpu.VMEM((ck, d), jnp.float32),
            pltpu.VMEM_SHARED((nacc, d), jnp.float32),
        ],
    )
    def deg_k(dst_hbm, ones_hbm, z_hbm, out_hbm, idx_v, ones_v, acc_sh):
        cid = lax.axis_index("c")
        sid = lax.axis_index("s")
        wid = sid * NC + cid
        r0 = sid * rpt
        pltpu.sync_copy(z_hbm.at[pl.ds(r0, rpt)], acc_sh.at[pl.ds(r0, rpt)])
        pltpu.sync_copy(dst_hbm.at[wid], idx_v)
        pltpu.sync_copy(ones_hbm, ones_v)
        plsc.subcore_barrier()

        @pl.loop(0, ch)
        def _(c):
            pltpu.sync_copy(ones_v, acc_sh.at[idx_v.at[c]], add=True)

        plsc.subcore_barrier()
        pltpu.sync_copy(acc_sh.at[pl.ds(r0, rpt)],
                        out_hbm.at[cid, pl.ds(r0, rpt)])

    return deg_k


def _msg_kernel(n, d, ch, ck):
    rpt, npad = _row_split(n)
    nacc = _acc_rows(n, npad)
    mesh = plsc.VectorSubcoreMesh(core_axis_name="c", subcore_axis_name="s")

    @functools.partial(
        pl.kernel,
        out_type=jax.ShapeDtypeStruct((NC, npad, d), jnp.float32),
        mesh=mesh,
        scratch_types=[pltpu.VMEM((ch, ck), jnp.int32)]
          + [pltpu.VMEM((ck, d), jnp.float32) for _ in range(NBUF)]
          + [pltpu.VMEM((1, ck), jnp.int32) for _ in range(NBUF)]
          + [pltpu.VMEM_SHARED((nacc, d), jnp.float32)]
          + [pltpu.SemaphoreType.DMA for _ in range(2 * NBUF)],
    )
    def msg_k(xs_hbm, src_hbm, dst_hbm, z_hbm, out_hbm, si_v, *rest):
        rows = rest[:NBUF]
        dslot = rest[NBUF:2 * NBUF]
        acc_sh = rest[2 * NBUF]
        rsem = rest[2 * NBUF + 1:2 * NBUF + 1 + NBUF]
        dsem = rest[2 * NBUF + 1 + NBUF:]
        cid = lax.axis_index("c")
        sid = lax.axis_index("s")
        wid = sid * NC + cid
        r0 = sid * rpt
        pltpu.sync_copy(z_hbm.at[pl.ds(r0, rpt)], acc_sh.at[pl.ds(r0, rpt)])
        pltpu.sync_copy(src_hbm.at[wid], si_v)
        plsc.subcore_barrier()

        for b in range(NBUF):
            pltpu.async_copy(dst_hbm.at[wid, pl.ds(b, 1)], dslot[b], dsem[b])
            pltpu.async_copy(xs_hbm.at[si_v.at[b]], rows[b], rsem[b])

        @pl.loop(0, ch - NBUF, step=NBUF)
        def _(g):
            for b in range(NBUF):
                c = g + b
                pltpu.make_async_copy(xs_hbm.at[si_v.at[c]],
                                      rows[b], rsem[b]).wait()
                pltpu.make_async_copy(dst_hbm.at[wid, pl.ds(c, 1)],
                                      dslot[b], dsem[b]).wait()
                pltpu.sync_copy(rows[b], acc_sh.at[dslot[b].at[0]], add=True)
                pltpu.async_copy(dst_hbm.at[wid, pl.ds(c + NBUF, 1)],
                                 dslot[b], dsem[b])
                pltpu.async_copy(xs_hbm.at[si_v.at[c + NBUF]],
                                 rows[b], rsem[b])

        for b in range(NBUF):
            c = ch - NBUF + b
            pltpu.make_async_copy(xs_hbm.at[si_v.at[c]],
                                  rows[b], rsem[b]).wait()
            pltpu.make_async_copy(dst_hbm.at[wid, pl.ds(c, 1)],
                                  dslot[b], dsem[b]).wait()
            pltpu.sync_copy(rows[b], acc_sh.at[dslot[b].at[0]], add=True)

        plsc.subcore_barrier()
        pltpu.sync_copy(acc_sh.at[pl.ds(r0, rpt)],
                        out_hbm.at[cid, pl.ds(r0, rpt)])

    return msg_k


def _dis(d0_ref, d1_ref):
    deg = d0_ref[:, :1] + d1_ref[:, :1] + 1.0
    return lax.rsqrt(deg)


def _tc_scale_body(x_ref, w_ref, d0_ref, d1_ref, o_ref):
    xw = jnp.dot(x_ref[...], w_ref[...], preferred_element_type=jnp.float32)
    o_ref[...] = xw * _dis(d0_ref, d1_ref)


def _ln_relu(t, g_ref, be_ref, eps=1e-5):
    mu = jnp.mean(t, axis=1, keepdims=True)
    var = jnp.mean((t - mu) ** 2, axis=1, keepdims=True)
    t = (t - mu) * lax.rsqrt(var + eps) * g_ref[...] + be_ref[...]
    return jnp.maximum(t, 0.0)


def _tc_mid_body(m0_ref, m1_ref, hs_ref, d0_ref, d1_ref,
                 b_ref, g_ref, be_ref, w2_ref, o_ref):
    dis = _dis(d0_ref, d1_ref)
    t = (m0_ref[...] + m1_ref[...] + hs_ref[...]) * dis + b_ref[...]
    t = _ln_relu(t, g_ref, be_ref)
    o_ref[...] = jnp.dot(t, w2_ref[...],
                         preferred_element_type=jnp.float32) * dis


def _tc_head_body(m0_ref, m1_ref, hs_ref, d0_ref, d1_ref, x_ref,
                  b_ref, g_ref, be_ref, wa_ref, wb_ref, bm1_ref,
                  w2p_ref, bm2p_ref, o_ref):
    dis = _dis(d0_ref, d1_ref)
    t = (m0_ref[...] + m1_ref[...] + hs_ref[...]) * dis + b_ref[...]
    h2 = _ln_relu(t, g_ref, be_ref)
    u = (jnp.dot(h2, wa_ref[...], preferred_element_type=jnp.float32)
         + jnp.dot(x_ref[...], wb_ref[...], preferred_element_type=jnp.float32)
         + bm1_ref[...])
    u = jnp.maximum(u, 0.0)
    o_ref[...] = jnp.dot(u, w2p_ref[...],
                         preferred_element_type=jnp.float32) + bm2p_ref[...]


def kernel(x, edge_index, W1, b1, g1, be1, W2, b2, g2, be2,
           Wm1, bm1, Wm2, bm2):
    n, d = x.shape
    hid = W1.shape[1]
    gout = W2.shape[1]
    mlp_h = Wm1.shape[1]
    out_dim = Wm2.shape[1]

    src3, dst3, ch, ck = _layout_edges(edge_index[0], edge_index[1], n)
    _, npad = _row_split(n)
    ones128 = jnp.ones((ck, 128), jnp.float32)
    zd = jnp.zeros((npad, d), jnp.float32)

    degp = _deg_kernel(n, 128, ch, ck)(dst3, ones128, zd)
    d0, d1 = degp[0], degp[1]

    bn = 5000
    grid = (-(-n // bn),)
    row_spec = lambda w: pl.BlockSpec((bn, w), lambda i: (i, 0))
    full_spec = lambda a, b: pl.BlockSpec((a, b), lambda i: (0, 0))

    msg_k = _msg_kernel(n, d, ch, ck)

    h0s = pl.pallas_call(
        _tc_scale_body,
        grid=grid,
        in_specs=[row_spec(d), full_spec(d, hid), row_spec(128), row_spec(128)],
        out_specs=row_spec(hid),
        out_shape=jax.ShapeDtypeStruct((n, hid), jnp.float32),
    )(x, W1, d0, d1)

    m = msg_k(h0s, src3, dst3, zd)

    h1s = pl.pallas_call(
        _tc_mid_body,
        grid=grid,
        in_specs=[row_spec(hid), row_spec(hid), row_spec(hid),
                  row_spec(128), row_spec(128),
                  full_spec(1, hid), full_spec(1, hid), full_spec(1, hid),
                  full_spec(hid, gout)],
        out_specs=row_spec(gout),
        out_shape=jax.ShapeDtypeStruct((n, gout), jnp.float32),
    )(m[0], m[1], h0s, d0, d1,
      b1.reshape(1, hid), g1.reshape(1, hid), be1.reshape(1, hid), W2)

    m2 = msg_k(h1s, src3, dst3, zd)

    opad = 128
    w2p = jnp.zeros((mlp_h, opad), jnp.float32).at[:, :out_dim].set(Wm2)
    bm2p = jnp.zeros((1, opad), jnp.float32).at[:, :out_dim].set(bm2)
    outp = pl.pallas_call(
        _tc_head_body,
        grid=grid,
        in_specs=[row_spec(gout), row_spec(gout), row_spec(gout),
                  row_spec(128), row_spec(128), row_spec(d),
                  full_spec(1, gout), full_spec(1, gout), full_spec(1, gout),
                  full_spec(gout, mlp_h), full_spec(d, mlp_h),
                  full_spec(1, mlp_h), full_spec(mlp_h, opad),
                  full_spec(1, opad)],
        out_specs=row_spec(opad),
        out_shape=jax.ShapeDtypeStruct((n, opad), jnp.float32),
    )(m2[0], m2[1], h1s, d0, d1, x,
      b2.reshape(1, gout), g2.reshape(1, gout), be2.reshape(1, gout),
      Wm1[:gout], Wm1[gout:], bm1.reshape(1, mlp_h), w2p, bm2p)

    return outp[:, :out_dim]

# --- scband reference (transcript-rebuilt; emitter-appended) ---
"""Pipeline reference for scband-gcn-with-mlp-11768210391288 (READ-ONLY COPY).

The authoritative reference and input builder live on the scoring server;
editing this copy changes nothing except your own understanding.
"""

import jax, jax.numpy as jnp
import numpy as np

N = 10000
E = 320000
D = 128
HID = 128
GOUT = 128
MLP_H = 128
OUT = 2


def setup_inputs(seed: int = 0) -> dict:
    key = jax.random.key(seed)
    ks = jax.random.split(key, 12)
    x = jax.random.normal(ks[0], (N, D), dtype=jnp.float32)
    edge_index = jax.random.randint(ks[1], (2, E), 0, N, dtype=jnp.int32)
    W1 = jax.random.normal(ks[2], (D, HID), dtype=jnp.float32) * 0.05
    b1 = jnp.zeros((HID,), dtype=jnp.float32)
    g1 = jnp.ones((HID,), dtype=jnp.float32)
    be1 = jnp.zeros((HID,), dtype=jnp.float32)
    W2 = jax.random.normal(ks[3], (HID, GOUT), dtype=jnp.float32) * 0.05
    b2 = jnp.zeros((GOUT,), dtype=jnp.float32)
    g2 = jnp.ones((GOUT,), dtype=jnp.float32)
    be2 = jnp.zeros((GOUT,), dtype=jnp.float32)
    Wm1 = jax.random.normal(ks[4], (GOUT + D, MLP_H), dtype=jnp.float32) * 0.05
    bm1 = jnp.zeros((MLP_H,), dtype=jnp.float32)
    Wm2 = jax.random.normal(ks[5], (MLP_H, OUT), dtype=jnp.float32) * 0.05
    bm2 = jnp.zeros((OUT,), dtype=jnp.float32)
    return {"x": x, "edge_index": edge_index, "W1": W1, "b1": b1, "g1": g1,
            "be1": be1, "W2": W2, "b2": b2, "g2": g2, "be2": be2,
            "Wm1": Wm1, "bm1": bm1, "Wm2": Wm2, "bm2": bm2}


def gcn_conv(x, edge_index, W, b):
    # PyG GCNConv: add self-loops, symmetric normalization D^-1/2 (A+I) D^-1/2 X W + b
    xw = x @ W
    src = edge_index[0]
    dst = edge_index[1]
    loop = jnp.arange(N, dtype=src.dtype)
    src = jnp.concatenate([src, loop])
    dst = jnp.concatenate([dst, loop])
    deg = jax.ops.segment_sum(jnp.ones_like(src, dtype=xw.dtype), dst, num_segments=N)
    dis = jnp.where(deg > 0, 1.0 / jnp.sqrt(jnp.where(deg > 0, deg, 1.0)), 0.0)
    norm = dis[src] * dis[dst]
    msg = xw[src] * norm[:, None]
    out = jax.ops.segment_sum(msg, dst, num_segments=N)
    return out + b


def layer_norm(x, g, b, eps=1e-5):
    mu = jnp.mean(x, axis=-1, keepdims=True)
    var = jnp.mean((x - mu) ** 2, axis=-1, keepdims=True)
    return (x - mu) / jnp.sqrt(var + eps) * g + b


def reference(x, edge_index, W1, b1, g1, be1, W2, b2, g2, be2, Wm1, bm1, Wm2, bm2):
    original_x = x
    h = gcn_conv(x, edge_index, W1, b1)
    h = jax.nn.relu(layer_norm(h, g1, be1))
    # dropout is identity in eval mode
    h = gcn_conv(h, edge_index, W2, b2)
    h = jax.nn.relu(layer_norm(h, g2, be2))
    h = jnp.concatenate([h, original_x], axis=1)
    h = jax.nn.relu(h @ Wm1 + bm1)
    out = h @ Wm2 + bm2
    return out

if __name__ == "__main__":
    import jax
    _d = setup_inputs()
    print(jax.jit(kernel)(*tuple(_d.values())))

</pallas_src>

<mosaic_0001>
#map = affine_map<(d0, d1) -> (0, 0)>
#map1 = affine_map<(d0, d1) -> (0, 0, 0)>
module attributes {stable_mosaic.version = 14 : i64} {
  func.func @msg_k(%arg0: i32, %arg1: i32, %arg2: memref<10000x128xf32, #tpu.memory_space<hbm>>, %arg3: memref<32x80x128xi32, #tpu.memory_space<hbm>>, %arg4: memref<32x80x128xi32, #tpu.memory_space<hbm>>, %arg5: memref<10112x128xf32, #tpu.memory_space<hbm>>, %arg6: memref<2x10112x128xf32, #tpu.memory_space<hbm>>, %arg7: memref<80x128xi32, #tpu.memory_space<vmem>>, %arg8: memref<128x128xf32, #tpu.memory_space<vmem>>, %arg9: memref<128x128xf32, #tpu.memory_space<vmem>>, %arg10: memref<1x128xi32, #tpu.memory_space<vmem>>, %arg11: memref<1x128xi32, #tpu.memory_space<vmem>>, %arg12: memref<10112x128xf32, #tpu.memory_space<vmem_shared>>, %arg13: memref<!tpu.dma_semaphore, #tpu.memory_space<semaphore_mem>>, %arg14: memref<!tpu.dma_semaphore, #tpu.memory_space<semaphore_mem>>, %arg15: memref<!tpu.dma_semaphore, #tpu.memory_space<semaphore_mem>>, %arg16: memref<!tpu.dma_semaphore, #tpu.memory_space<semaphore_mem>>) attributes {dimension_semantics = [#tpu.dimension_semantics<core_parallel>, #tpu.dimension_semantics<subcore_parallel>], iteration_bounds = array<i64: 2, 16>, scalar_prefetch = 0 : i64, scratch_operands = 10 : i64, tpu.core_type = #tpu.core_type<sc_vector_subcore>, window_params = [{transform_indices = #map}, {transform_indices = #map1}, {transform_indices = #map1}, {transform_indices = #map}, {transform_indices = #map1}]} {
    %mul3A = arith.constant 2 : i32
    %mul3A_0 = arith.muli %arg1, %mul3A : i32
    %add3A = arith.addi %mul3A_0, %arg0 : i32
    %mul3A_1 = arith.constant 632 : i32
    %mul3A_2 = arith.muli %arg1, %mul3A_1 : i32
    "tpu.region"() ({
      %run_scoped3A_67 = tpu.sem_alloc : memref<!tpu.dma_semaphore, #tpu.memory_space<semaphore_mem>>
      %dma_start3A_68 = arith.constant 0 : i32
      %dma_start3A_69 = tpu.memref_slice %arg12[%mul3A_2, %dma_start3A_68] : memref<10112x128xf32, #tpu.memory_space<vmem_shared>> -> memref<632x128xf32, #tpu.memory_space<vmem_shared>>
      %dma_start3A_70 = arith.constant 0 : i32
      %dma_start3A_71 = tpu.memref_slice %arg5[%mul3A_2, %dma_start3A_70] : memref<10112x128xf32, #tpu.memory_space<hbm>> -> memref<632x128xf32, #tpu.memory_space<hbm>>
      tpu.enqueue_dma source(%dma_start3A_71 : memref<632x128xf32, #tpu.memory_space<hbm>>) target(%dma_start3A_69 : memref<632x128xf32, #tpu.memory_space<vmem_shared>>) target_semaphore(%run_scoped3A_67 : memref<!tpu.dma_semaphore, #tpu.memory_space<semaphore_mem>>)
      %dma_wait3A_72 = arith.constant 0 : i32
      %dma_wait3A_73 = tpu.memref_slice %arg12[%mul3A_2, %dma_wait3A_72] : memref<10112x128xf32, #tpu.memory_space<vmem_shared>> -> memref<632x128xf32, #tpu.memory_space<vmem_shared>>
      %dma_wait3A_74 = arith.constant 0 : i32
      %dma_wait3A_75 = tpu.memref_slice %arg5[%mul3A_2, %dma_wait3A_74] : memref<10112x128xf32, #tpu.memory_space<hbm>> -> memref<632x128xf32, #tpu.memory_space<hbm>>
      tpu.wait_dma2 semaphore(%run_scoped3A_67 : memref<!tpu.dma_semaphore, #tpu.memory_space<semaphore_mem>>) src(%dma_wait3A_75 : memref<632x128xf32, #tpu.memory_space<hbm>>) dst(%dma_wait3A_73 : memref<632x128xf32, #tpu.memory_space<vmem_shared>>)
      tpu.yield
    }) : () -> ()
    "tpu.region"() ({
      %run_scoped3A_67 = tpu.sem_alloc : memref<!tpu.dma_semaphore, #tpu.memory_space<semaphore_mem>>
      %dma_start3A_68 = arith.constant 0 : i32
      %dma_start3A_69 = arith.constant 0 : i32
      %dma_start3A_70 = tpu.memref_slice %arg3[%add3A, %dma_start3A_68, %dma_start3A_69] : memref<32x80x128xi32, #tpu.memory_space<hbm>> -> memref<1x80x128xi32, #tpu.memory_space<hbm>>
      %dma_start3A_71 = tpu.memref_squeeze %dma_start3A_70 : memref<1x80x128xi32, #tpu.memory_space<hbm>> -> memref<80x128xi32, #tpu.memory_space<hbm>>
      %dma_start3A_72 = arith.constant 0 : i32
      %dma_start3A_73 = arith.constant 0 : i32
      %dma_start3A_74 = tpu.memref_slice %arg3[%add3A, %dma_start3A_72, %dma_start3A_73] : memref<32x80x128xi32, #tpu.memory_space<hbm>> -> memref<1x80x128xi32, #tpu.memory_space<hbm>>
      %dma_start3A_75 = tpu.memref_squeeze %dma_start3A_74 : memref<1x80x128xi32, #tpu.memory_space<hbm>> -> memref<80x128xi32, #tpu.memory_space<hbm>>
      tpu.enqueue_dma source(%dma_start3A_75 : memref<80x128xi32, #tpu.memory_space<hbm>>) target(%arg7 : memref<80x128xi32, #tpu.memory_space<vmem>>) target_semaphore(%run_scoped3A_67 : memref<!tpu.dma_semaphore, #tpu.memory_space<semaphore_mem>>)
      %dma_wait3A_76 = arith.constant 0 : i32
      %dma_wait3A_77 = arith.constant 0 : i32
      %dma_wait3A_78 = tpu.memref_slice %arg3[%add3A, %dma_wait3A_76, %dma_wait3A_77] : memref<32x80x128xi32, #tpu.memory_space<hbm>> -> memref<1x80x128xi32, #tpu.memory_space<hbm>>
      %dma_wait3A_79 = tpu.memref_squeeze %dma_wait3A_78 : memref<1x80x128xi32, #tpu.memory_space<hbm>> -> memref<80x128xi32, #tpu.memory_space<hbm>>
      %dma_wait3A_80 = arith.constant 0 : i32
      %dma_wait3A_81 = arith.constant 0 : i32
      %dma_wait3A_82 = tpu.memref_slice %arg3[%add3A, %dma_wait3A_80, %dma_wait3A_81] : memref<32x80x128xi32, #tpu.memory_space<hbm>> -> memref<1x80x128xi32, #tpu.memory_space<hbm>>
      %dma_wait3A_83 = tpu.memref_squeeze %dma_wait3A_82 : memref<1x80x128xi32, #tpu.memory_space<hbm>> -> memref<80x128xi32, #tpu.memory_space<hbm>>
      tpu.wait_dma2 semaphore(%run_scoped3A_67 : memref<!tpu.dma_semaphore, #tpu.memory_space<semaphore_mem>>) src(%dma_wait3A_83 : memref<80x128xi32, #tpu.memory_space<hbm>>) dst(%arg7 : memref<80x128xi32, #tpu.memory_space<vmem>>)
      tpu.yield
    }) : () -> ()
    %barrier3A = arith.constant 0 : index
    tpu.barrier barrier_id(%barrier3A)
    %dma_start3A = arith.constant 0 : i32
    %dma_start3A_3 = arith.constant 0 : i32
    %dma_start3A_4 = tpu.memref_slice %arg4[%add3A, %dma_start3A, %dma_start3A_3] : memref<32x80x128xi32, #tpu.memory_space<hbm>> -> memref<1x1x128xi32, #tpu.memory_space<hbm>>
    %dma_start3A_5 = tpu.memref_squeeze %dma_start3A_4 : memref<1x1x128xi32, #tpu.memory_space<hbm>> -> memref<1x128xi32, #tpu.memory_space<hbm>>
    %dma_start3A_6 = arith.constant 0 : i32
    %dma_start3A_7 = arith.constant 0 : i32
    %dma_start3A_8 = tpu.memref_slice %arg4[%add3A, %dma_start3A_6, %dma_start3A_7] : memref<32x80x128xi32, #tpu.memory_space<hbm>> -> memref<1x1x128xi32, #tpu.memory_space<hbm>>
    %dma_start3A_9 = tpu.memref_squeeze %dma_start3A_8 : memref<1x1x128xi32, #tpu.memory_space<hbm>> -> memref<1x128xi32, #tpu.memory_space<hbm>>
    tpu.enqueue_dma source(%dma_start3A_9 : memref<1x128xi32, #tpu.memory_space<hbm>>) target(%arg10 : memref<1x128xi32, #tpu.memory_space<vmem>>) target_semaphore(%arg15 : memref<!tpu.dma_semaphore, #tpu.memory_space<semaphore_mem>>)
    %dma_start3A_10 = arith.constant 0 : i32
    %dma_start3A_11 = arith.constant 0 : i32
    %dma_start3A_12 = tpu.memref_slice %arg7[%dma_start3A_10, %dma_start3A_11] : memref<80x128xi32, #tpu.memory_space<vmem>> -> memref<1x128xi32, #tpu.memory_space<vmem>>
    %dma_start3A_13 = tpu.memref_squeeze %dma_start3A_12 : memref<1x128xi32, #tpu.memory_space<vmem>> -> memref<128xi32, #tpu.memory_space<vmem>>
    %dma_start3A_14 = arith.constant 0 : i32
    %dma_start3A_15 = arith.constant 0 : i32
    %dma_start3A_16 = tpu.memref_slice %arg2[%dma_start3A_14, %dma_start3A_15] : memref<10000x128xf32, #tpu.memory_space<hbm>> -> memref<10000x128xf32, #tpu.memory_space<hbm>>
    tpu.enqueue_indirect_dma source(%dma_start3A_16 : memref<10000x128xf32, #tpu.memory_space<hbm>>) target(%arg8 : memref<128x128xf32, #tpu.memory_space<vmem>>) offsets(%dma_start3A_13 : memref<128xi32, #tpu.memory_space<vmem>>) semaphore(%arg13 : memref<!tpu.dma_semaphore, #tpu.memory_space<semaphore_mem>>)
    %dma_start3A_17 = arith.constant 1 : i32
    %dma_start3A_18 = arith.constant 0 : i32
    %dma_start3A_19 = tpu.memref_slice %arg4[%add3A, %dma_start3A_17, %dma_start3A_18] : memref<32x80x128xi32, #tpu.memory_space<hbm>> -> memref<1x1x128xi32, #tpu.memory_space<hbm>>
    %dma_start3A_20 = tpu.memref_squeeze %dma_start3A_19 : memref<1x1x128xi32, #tpu.memory_space<hbm>> -> memref<1x128xi32, #tpu.memory_space<hbm>>
    %dma_start3A_21 = arith.constant 1 : i32
    %dma_start3A_22 = arith.constant 0 : i32
    %dma_start3A_23 = tpu.memref_slice %arg4[%add3A, %dma_start3A_21, %dma_start3A_22] : memref<32x80x128xi32, #tpu.memory_space<hbm>> -> memref<1x1x128xi32, #tpu.memory_space<hbm>>
    %dma_start3A_24 = tpu.memref_squeeze %dma_start3A_23 : memref<1x1x128xi32, #tpu.memory_space<hbm>> -> memref<1x128xi32, #tpu.memory_space<hbm>>
    tpu.enqueue_dma source(%dma_start3A_24 : memref<1x128xi32, #tpu.memory_space<hbm>>) target(%arg11 : memref<1x128xi32, #tpu.memory_space<vmem>>) target_semaphore(%arg16 : memref<!tpu.dma_semaphore, #tpu.memory_space<semaphore_mem>>)
    %dma_start3A_25 = arith.constant 1 : i32
    %dma_start3A_26 = arith.constant 0 : i32
    %dma_start3A_27 = tpu.memref_slice %arg7[%dma_start3A_25, %dma_start3A_26] : memref<80x128xi32, #tpu.memory_space<vmem>> -> memref<1x128xi32, #tpu.memory_space<vmem>>
    %dma_start3A_28 = tpu.memref_squeeze %dma_start3A_27 : memref<1x128xi32, #tpu.memory_space<vmem>> -> memref<128xi32, #tpu.memory_space<vmem>>
    %dma_start3A_29 = arith.constant 0 : i32
    %dma_start3A_30 = arith.constant 0 : i32
    %dma_start3A_31 = tpu.memref_slice %arg2[%dma_start3A_29, %dma_start3A_30] : memref<10000x128xf32, #tpu.memory_space<hbm>> -> memref<10000x128xf32, #tpu.memory_space<hbm>>
    tpu.enqueue_indirect_dma source(%dma_start3A_31 : memref<10000x128xf32, #tpu.memory_space<hbm>>) target(%arg9 : memref<128x128xf32, #tpu.memory_space<vmem>>) offsets(%dma_start3A_28 : memref<128xi32, #tpu.memory_space<vmem>>) semaphore(%arg14 : memref<!tpu.dma_semaphore, #tpu.memory_space<semaphore_mem>>)
    %scan3A = arith.constant 0 : i32
    %scan3A_32 = arith.constant 39 : i32
    %scan3A_33 = arith.addi %scan3A, %scan3A_32 : i32
    %scan3A_34 = arith.constant 1 : i32
    scf.for %scan3A_67 = %scan3A to %scan3A_33 step %scan3A_34  : i32 {
      %mul3A_68 = arith.constant 2 : i32
      %mul3A_69 = arith.muli %scan3A_67, %mul3A_68 : i32
      %add3A_70 = arith.constant 0 : i32
      %add3A_71 = arith.addi %add3A_70, %mul3A_69 : i32
      %add3A_72 = arith.constant 0 : i32
      %add3A_73 = arith.addi %add3A_71, %add3A_72 : i32
      %dma_wait3A_74 = arith.constant 0 : i32
      %dma_wait3A_75 = tpu.memref_slice %arg7[%add3A_73, %dma_wait3A_74] : memref<80x128xi32, #tpu.memory_space<vmem>> -> memref<1x128xi32, #tpu.memory_space<vmem>>
      %dma_wait3A_76 = tpu.memref_squeeze %dma_wait3A_75 : memref<1x128xi32, #tpu.memory_space<vmem>> -> memref<128xi32, #tpu.memory_space<vmem>>
      %dma_wait3A_77 = arith.constant 0 : i32
      %dma_wait3A_78 = arith.constant 0 : i32
      %dma_wait3A_79 = tpu.memref_slice %arg2[%dma_wait3A_77, %dma_wait3A_78] : memref<10000x128xf32, #tpu.memory_space<hbm>> -> memref<10000x128xf32, #tpu.memory_space<hbm>>
      tpu.wait_indirect_dma semaphore(%arg13 : memref<!tpu.dma_semaphore, #tpu.memory_space<semaphore_mem>>) src(%dma_wait3A_79 : memref<10000x128xf32, #tpu.memory_space<hbm>>) dst(%arg8 : memref<128x128xf32, #tpu.memory_space<vmem>>)
      %dma_wait3A_80 = arith.constant 0 : i32
      %dma_wait3A_81 = tpu.memref_slice %arg4[%add3A, %add3A_73, %dma_wait3A_80] : memref<32x80x128xi32, #tpu.memory_space<hbm>> -> memref<1x1x128xi32, #tpu.memory_space<hbm>>
      %dma_wait3A_82 = tpu.memref_squeeze %dma_wait3A_81 : memref<1x1x128xi32, #tpu.memory_space<hbm>> -> memref<1x128xi32, #tpu.memory_space<hbm>>
      %dma_wait3A_83 = arith.constant 0 : i32
      %dma_wait3A_84 = tpu.memref_slice %arg4[%add3A, %add3A_73, %dma_wait3A_83] : memref<32x80x128xi32, #tpu.memory_space<hbm>> -> memref<1x1x128xi32, #tpu.memory_space<hbm>>
      %dma_wait3A_85 = tpu.memref_squeeze %dma_wait3A_84 : memref<1x1x128xi32, #tpu.memory_space<hbm>> -> memref<1x128xi32, #tpu.memory_space<hbm>>
      tpu.wait_dma2 semaphore(%arg15 : memref<!tpu.dma_semaphore, #tpu.memory_space<semaphore_mem>>) src(%dma_wait3A_85 : memref<1x128xi32, #tpu.memory_space<hbm>>) dst(%arg10 : memref<1x128xi32, #tpu.memory_space<vmem>>)
      %run_scoped3A_86 = arith.constant 0 : i32
      "tpu.region"() ({
        %run_scoped3A_134 = tpu.sem_alloc : memref<!tpu.dma_semaphore, #tpu.memory_space<semaphore_mem>>
        %dma_start3A_135 = arith.constant 0 : i32
        %dma_start3A_136 = tpu.memref_slice %arg10[%run_scoped3A_86, %dma_start3A_135] : memref<1x128xi32, #tpu.memory_space<vmem>> -> memref<1x128xi32, #tpu.memory_space<vmem>>
        %dma_start3A_137 = tpu.memref_squeeze %dma_start3A_136 : memref<1x128xi32, #tpu.memory_space<vmem>> -> memref<128xi32, #tpu.memory_space<vmem>>
        %dma_start3A_138 = arith.constant 0 : i32
        %dma_start3A_139 = arith.constant 0 : i32
        %dma_start3A_140 = tpu.memref_slice %arg12[%dma_start3A_138, %dma_start3A_139] : memref<10112x128xf32, #tpu.memory_space<vmem_shared>> -> memref<10112x128xf32, #tpu.memory_space<vmem_shared>>
        tpu.enqueue_indirect_dma source(%arg8 : memref<128x128xf32, #tpu.memory_space<vmem>>) target(%dma_start3A_140 : memref<10112x128xf32, #tpu.memory_space<vmem_shared>>) offsets(%dma_start3A_137 : memref<128xi32, #tpu.memory_space<vmem>>) semaphore(%run_scoped3A_134 : memref<!tpu.dma_semaphore, #tpu.memory_space<semaphore_mem>>) {add = true}
        %dma_wait3A_141 = arith.constant 0 : i32
        %dma_wait3A_142 = tpu.memref_slice %arg10[%run_scoped3A_86, %dma_wait3A_141] : memref<1x128xi32, #tpu.memory_space<vmem>> -> memref<1x128xi32, #tpu.memory_space<vmem>>
        %dma_wait3A_143 = tpu.memref_squeeze %dma_wait3A_142 : memref<1x128xi32, #tpu.memory_space<vmem>> -> memref<128xi32, #tpu.memory_space<vmem>>
        %dma_wait3A_144 = arith.constant 0 : i32
        %dma_wait3A_145 = arith.constant 0 : i32
        %dma_wait3A_146 = tpu.memref_slice %arg12[%dma_wait3A_144, %dma_wait3A_145] : memref<10112x128xf32, #tpu.memory_space<vmem_shared>> -> memref<10112x128xf32, #tpu.memory_space<vmem_shared>>
        tpu.wait_indirect_dma semaphore(%run_scoped3A_134 : memref<!tpu.dma_semaphore, #tpu.memory_space<semaphore_mem>>) src(%arg8 : memref<128x128xf32, #tpu.memory_space<vmem>>) dst(%dma_wait3A_146 : memref<10112x128xf32, #tpu.memory_space<vmem_shared>>)
        tpu.yield
      }) : () -> ()
      %add3A_87 = arith.constant 2 : i32
      %add3A_88 = arith.addi %add3A_73, %add3A_87 : i32
      %dma_start3A_89 = arith.constant 0 : i32
      %dma_start3A_90 = tpu.memref_slice %arg4[%add3A, %add3A_88, %dma_start3A_89] : memref<32x80x128xi32, #tpu.memory_space<hbm>> -> memref<1x1x128xi32, #tpu.memory_space<hbm>>
      %dma_start3A_91 = tpu.memref_squeeze %dma_start3A_90 : memref<1x1x128xi32, #tpu.memory_space<hbm>> -> memref<1x128xi32, #tpu.memory_space<hbm>>
      %dma_start3A_92 = arith.constant 0 : i32
      %dma_start3A_93 = tpu.memref_slice %arg4[%add3A, %add3A_88, %dma_start3A_92] : memref<32x80x128xi32, #tpu.memory_space<hbm>> -> memref<1x1x128xi32, #tpu.memory_space<hbm>>
      %dma_start3A_94 = tpu.memref_squeeze %dma_start3A_93 : memref<1x1x128xi32, #tpu.memory_space<hbm>> -> memref<1x128xi32, #tpu.memory_space<hbm>>
      tpu.enqueue_dma source(%dma_start3A_94 : memref<1x128xi32, #tpu.memory_space<hbm>>) target(%arg10 : memref<1x128xi32, #tpu.memory_space<vmem>>) target_semaphore(%arg15 : memref<!tpu.dma_semaphore, #tpu.memory_space<semaphore_mem>>)
      %add3A_95 = arith.constant 2 : i32
      %add3A_96 = arith.addi %add3A_73, %add3A_95 : i32
      %dma_start3A_97 = arith.constant 0 : i32
      %dma_start3A_98 = tpu.memref_slice %arg7[%add3A_96, %dma_start3A_97] : memref<80x128xi32, #tpu.memory_space<vmem>> -> memref<1x128xi32, #tpu.memory_space<vmem>>
      %dma_start3A_99 = tpu.memref_squeeze %dma_start3A_98 : memref<1x128xi32, #tpu.memory_space<vmem>> -> memref<128xi32, #tpu.memory_space<vmem>>
      %dma_start3A_100 = arith.constant 0 : i32
      %dma_start3A_101 = arith.constant 0 : i32
      %dma_start3A_102 = tpu.memref_slice %arg2[%dma_start3A_100, %dma_start3A_101] : memref<10000x128xf32, #tpu.memory_space<hbm>> -> memref<10000x128xf32, #tpu.memory_space<hbm>>
      tpu.enqueue_indirect_dma source(%dma_start3A_102 : memref<10000x128xf32, #tpu.memory_space<hbm>>) target(%arg8 : memref<128x128xf32, #tpu.memory_space<vmem>>) offsets(%dma_start3A_99 : memref<128xi32, #tpu.memory_space<vmem>>) semaphore(%arg13 : memref<!tpu.dma_semaphore, #tpu.memory_space<semaphore_mem>>)
      %add3A_103 = arith.constant 1 : i32
      %add3A_104 = arith.addi %add3A_71, %add3A_103 : i32
      %dma_wait3A_105 = arith.constant 0 : i32
      %dma_wait3A_106 = tpu.memref_slice %arg7[%add3A_104, %dma_wait3A_105] : memref<80x128xi32, #tpu.memory_space<vmem>> -> memref<1x128xi32, #tpu.memory_space<vmem>>
      %dma_wait3A_107 = tpu.memref_squeeze %dma_wait3A_106 : memref<1x128xi32, #tpu.memory_space<vmem>> -> memref<128xi32, #tpu.memory_space<vmem>>
      %dma_wait3A_108 = arith.constant 0 : i32
      %dma_wait3A_109 = arith.constant 0 : i32
      %dma_wait3A_110 = tpu.memref_slice %arg2[%dma_wait3A_108, %dma_wait3A_109] : memref<10000x128xf32, #tpu.memory_space<hbm>> -> memref<10000x128xf32, #tpu.memory_space<hbm>>
      tpu.wait_indirect_dma semaphore(%arg14 : memref<!tpu.dma_semaphore, #tpu.memory_space<semaphore_mem>>) src(%dma_wait3A_110 : memref<10000x128xf32, #tpu.memory_space<hbm>>) dst(%arg9 : memref<128x128xf32, #tpu.memory_space<vmem>>)
      %dma_wait3A_111 = arith.constant 0 : i32
      %dma_wait3A_112 = tpu.memref_slice %arg4[%add3A, %add3A_104, %dma_wait3A_111] : memref<32x80x128xi32, #tpu.memory_space<hbm>> -> memref<1x1x128xi32, #tpu.memory_space<hbm>>
      %dma_wait3A_113 = tpu.memref_squeeze %dma_wait3A_112 : memref<1x1x128xi32, #tpu.memory_space<hbm>> -> memref<1x128xi32, #tpu.memory_space<hbm>>
      %dma_wait3A_114 = arith.constant 0 : i32
      %dma_wait3A_115 = tpu.memref_slice %arg4[%add3A, %add3A_104, %dma_wait3A_114] : memref<32x80x128xi32, #tpu.memory_space<hbm>> -> memref<1x1x128xi32, #tpu.memory_space<hbm>>
      %dma_wait3A_116 = tpu.memref_squeeze %dma_wait3A_115 : memref<1x1x128xi32, #tpu.memory_space<hbm>> -> memref<1x128xi32, #tpu.memory_space<hbm>>
      tpu.wait_dma2 semaphore(%arg16 : memref<!tpu.dma_semaphore, #tpu.memory_space<semaphore_mem>>) src(%dma_wait3A_116 : memref<1x128xi32, #tpu.memory_space<hbm>>) dst(%arg11 : memref<1x128xi32, #tpu.memory_space<vmem>>)
      %run_scoped3A_117 = arith.constant 0 : i32
      "tpu.region"() ({
        %run_scoped3A_134 = tpu.sem_alloc : memref<!tpu.dma_semaphore, #tpu.memory_space<semaphore_mem>>
        %dma_start3A_135 = arith.constant 0 : i32
        %dma_start3A_136 = tpu.memref_slice %arg11[%run_scoped3A_117, %dma_start3A_135] : memref<1x128xi32, #tpu.memory_space<vmem>> -> memref<1x128xi32, #tpu.memory_space<vmem>>
        %dma_start3A_137 = tpu.memref_squeeze %dma_start3A_136 : memref<1x128xi32, #tpu.memory_space<vmem>> -> memref<128xi32, #tpu.memory_space<vmem>>
        %dma_start3A_138 = arith.constant 0 : i32
        %dma_start3A_139 = arith.constant 0 : i32
        %dma_start3A_140 = tpu.memref_slice %arg12[%dma_start3A_138, %dma_start3A_139] : memref<10112x128xf32, #tpu.memory_space<vmem_shared>> -> memref<10112x128xf32, #tpu.memory_space<vmem_shared>>
        tpu.enqueue_indirect_dma source(%arg9 : memref<128x128xf32, #tpu.memory_space<vmem>>) target(%dma_start3A_140 : memref<10112x128xf32, #tpu.memory_space<vmem_shared>>) offsets(%dma_start3A_137 : memref<128xi32, #tpu.memory_space<vmem>>) semaphore(%run_scoped3A_134 : memref<!tpu.dma_semaphore, #tpu.memory_space<semaphore_mem>>) {add = true}
        %dma_wait3A_141 = arith.constant 0 : i32
        %dma_wait3A_142 = tpu.memref_slice %arg11[%run_scoped3A_117, %dma_wait3A_141] : memref<1x128xi32, #tpu.memory_space<vmem>> -> memref<1x128xi32, #tpu.memory_space<vmem>>
        %dma_wait3A_143 = tpu.memref_squeeze %dma_wait3A_142 : memref<1x128xi32, #tpu.memory_space<vmem>> -> memref<128xi32, #tpu.memory_space<vmem>>
        %dma_wait3A_144 = arith.constant 0 : i32
        %dma_wait3A_145 = arith.constant 0 : i32
        %dma_wait3A_146 = tpu.memref_slice %arg12[%dma_wait3A_144, %dma_wait3A_145] : memref<10112x128xf32, #tpu.memory_space<vmem_shared>> -> memref<10112x128xf32, #tpu.memory_space<vmem_shared>>
        tpu.wait_indirect_dma semaphore(%run_scoped3A_134 : memref<!tpu.dma_semaphore, #tpu.memory_space<semaphore_mem>>) src(%arg9 : memref<128x128xf32, #tpu.memory_space<vmem>>) dst(%dma_wait3A_146 : memref<10112x128xf32, #tpu.memory_space<vmem_shared>>)
        tpu.yield
      }) : () -> ()
      %add3A_118 = arith.constant 2 : i32
      %add3A_119 = arith.addi %add3A_104, %add3A_118 : i32
      %dma_start3A_120 = arith.constant 0 : i32
      %dma_start3A_121 = tpu.memref_slice %arg4[%add3A, %add3A_119, %dma_start3A_120] : memref<32x80x128xi32, #tpu.memory_space<hbm>> -> memref<1x1x128xi32, #tpu.memory_space<hbm>>
      %dma_start3A_122 = tpu.memref_squeeze %dma_start3A_121 : memref<1x1x128xi32, #tpu.memory_space<hbm>> -> memref<1x128xi32, #tpu.memory_space<hbm>>
      %dma_start3A_123 = arith.constant 0 : i32
      %dma_start3A_124 = tpu.memref_slice %arg4[%add3A, %add3A_119, %dma_start3A_123] : memref<32x80x128xi32, #tpu.memory_space<hbm>> -> memref<1x1x128xi32, #tpu.memory_space<hbm>>
      %dma_start3A_125 = tpu.memref_squeeze %dma_start3A_124 : memref<1x1x128xi32, #tpu.memory_space<hbm>> -> memref<1x128xi32, #tpu.memory_space<hbm>>
      tpu.enqueue_dma source(%dma_start3A_125 : memref<1x128xi32, #tpu.memory_space<hbm>>) target(%arg11 : memref<1x128xi32, #tpu.memory_space<vmem>>) target_semaphore(%arg16 : memref<!tpu.dma_semaphore, #tpu.memory_space<semaphore_mem>>)
      %add3A_126 = arith.constant 2 : i32
      %add3A_127 = arith.addi %add3A_104, %add3A_126 : i32
      %dma_start3A_128 = arith.constant 0 : i32
      %dma_start3A_129 = tpu.memref_slice %arg7[%add3A_127, %dma_start3A_128] : memref<80x128xi32, #tpu.memory_space<vmem>> -> memref<1x128xi32, #tpu.memory_space<vmem>>
      %dma_start3A_130 = tpu.memref_squeeze %dma_start3A_129 : memref<1x128xi32, #tpu.memory_space<vmem>> -> memref<128xi32, #tpu.memory_space<vmem>>
      %dma_start3A_131 = arith.constant 0 : i32
      %dma_start3A_132 = arith.constant 0 : i32
      %dma_start3A_133 = tpu.memref_slice %arg2[%dma_start3A_131, %dma_start3A_132] : memref<10000x128xf32, #tpu.memory_space<hbm>> -> memref<10000x128xf32, #tpu.memory_space<hbm>>
      tpu.enqueue_indirect_dma source(%dma_start3A_133 : memref<10000x128xf32, #tpu.memory_space<hbm>>) target(%arg9 : memref<128x128xf32, #tpu.memory_space<vmem>>) offsets(%dma_start3A_130 : memref<128xi32, #tpu.memory_space<vmem>>) semaphore(%arg14 : memref<!tpu.dma_semaphore, #tpu.memory_space<semaphore_mem>>)
    }
    %scan3A_35 = arith.constant 39 : i32
    %dma_wait3A = arith.constant 78 : i32
    %dma_wait3A_36 = arith.constant 0 : i32
    %dma_wait3A_37 = tpu.memref_slice %arg7[%dma_wait3A, %dma_wait3A_36] : memref<80x128xi32, #tpu.memory_space<vmem>> -> memref<1x128xi32, #tpu.memory_space<vmem>>
    %dma_wait3A_38 = tpu.memref_squeeze %dma_wait3A_37 : memref<1x128xi32, #tpu.memory_space<vmem>> -> memref<128xi32, #tpu.memory_space<vmem>>
    %dma_wait3A_39 = arith.constant 0 : i32
    %dma_wait3A_40 = arith.constant 0 : i32
    %dma_wait3A_41 = tpu.memref_slice %arg2[%dma_wait3A_39, %dma_wait3A_40] : memref<10000x128xf32, #tpu.memory_space<hbm>> -> memref<10000x128xf32, #tpu.memory_space<hbm>>
    tpu.wait_indirect_dma semaphore(%arg13 : memref<!tpu.dma_semaphore, #tpu.memory_space<semaphore_mem>>) src(%dma_wait3A_41 : memref<10000x128xf32, #tpu.memory_space<hbm>>) dst(%arg8 : memref<128x128xf32, #tpu.memory_space<vmem>>)
    %dma_wait3A_42 = arith.constant 78 : i32
    %dma_wait3A_43 = arith.constant 0 : i32
    %dma_wait3A_44 = tpu.memref_slice %arg4[%add3A, %dma_wait3A_42, %dma_wait3A_43] : memref<32x80x128xi32, #tpu.memory_space<hbm>> -> memref<1x1x128xi32, #tpu.memory_space<hbm>>
    %dma_wait3A_45 = tpu.memref_squeeze %dma_wait3A_44 : memref<1x1x128xi32, #tpu.memory_space<hbm>> -> memref<1x128xi32, #tpu.memory_space<hbm>>
    %dma_wait3A_46 = arith.constant 78 : i32
    %dma_wait3A_47 = arith.constant 0 : i32
    %dma_wait3A_48 = tpu.memref_slice %arg4[%add3A, %dma_wait3A_46, %dma_wait3A_47] : memref<32x80x128xi32, #tpu.memory_space<hbm>> -> memref<1x1x128xi32, #tpu.memory_space<hbm>>
    %dma_wait3A_49 = tpu.memref_squeeze %dma_wait3A_48 : memref<1x1x128xi32, #tpu.memory_space<hbm>> -> memref<1x128xi32, #tpu.memory_space<hbm>>
    tpu.wait_dma2 semaphore(%arg15 : memref<!tpu.dma_semaphore, #tpu.memory_space<semaphore_mem>>) src(%dma_wait3A_49 : memref<1x128xi32, #tpu.memory_space<hbm>>) dst(%arg10 : memref<1x128xi32, #tpu.memory_space<vmem>>)
    %run_scoped3A = arith.constant 0 : i32
    "tpu.region"() ({
      %run_scoped3A_67 = tpu.sem_alloc : memref<!tpu.dma_semaphore, #tpu.memory_space<semaphore_mem>>
      %dma_start3A_68 = arith.constant 0 : i32
      %dma_start3A_69 = tpu.memref_slice %arg10[%run_scoped3A, %dma_start3A_68] : memref<1x128xi32, #tpu.memory_space<vmem>> -> memref<1x128xi32, #tpu.memory_space<vmem>>
      %dma_start3A_70 = tpu.memref_squeeze %dma_start3A_69 : memref<1x128xi32, #tpu.memory_space<vmem>> -> memref<128xi32, #tpu.memory_space<vmem>>
      %dma_start3A_71 = arith.constant 0 : i32
      %dma_start3A_72 = arith.constant 0 : i32
      %dma_start3A_73 = tpu.memref_slice %arg12[%dma_start3A_71, %dma_start3A_72] : memref<10112x128xf32, #tpu.memory_space<vmem_shared>> -> memref<10112x128xf32, #tpu.memory_space<vmem_shared>>
      tpu.enqueue_indirect_dma source(%arg8 : memref<128x128xf32, #tpu.memory_space<vmem>>) target(%dma_start3A_73 : memref<10112x128xf32, #tpu.memory_space<vmem_shared>>) offsets(%dma_start3A_70 : memref<128xi32, #tpu.memory_space<vmem>>) semaphore(%run_scoped3A_67 : memref<!tpu.dma_semaphore, #tpu.memory_space<semaphore_mem>>) {add = true}
      %dma_wait3A_74 = arith.constant 0 : i32
      %dma_wait3A_75 = tpu.memref_slice %arg10[%run_scoped3A, %dma_wait3A_74] : memref<1x128xi32, #tpu.memory_space<vmem>> -> memref<1x128xi32, #tpu.memory_space<vmem>>
      %dma_wait3A_76 = tpu.memref_squeeze %dma_wait3A_75 : memref<1x128xi32, #tpu.memory_space<vmem>> -> memref<128xi32, #tpu.memory_space<vmem>>
      %dma_wait3A_77 = arith.constant 0 : i32
      %dma_wait3A_78 = arith.constant 0 : i32
      %dma_wait3A_79 = tpu.memref_slice %arg12[%dma_wait3A_77, %dma_wait3A_78] : memref<10112x128xf32, #tpu.memory_space<vmem_shared>> -> memref<10112x128xf32, #tpu.memory_space<vmem_shared>>
      tpu.wait_indirect_dma semaphore(%run_scoped3A_67 : memref<!tpu.dma_semaphore, #tpu.memory_space<semaphore_mem>>) src(%arg8 : memref<128x128xf32, #tpu.memory_space<vmem>>) dst(%dma_wait3A_79 : memref<10112x128xf32, #tpu.memory_space<vmem_shared>>)
      tpu.yield
    }) : () -> ()
    %dma_wait3A_50 = arith.constant 79 : i32
    %dma_wait3A_51 = arith.constant 0 : i32
    %dma_wait3A_52 = tpu.memref_slice %arg7[%dma_wait3A_50, %dma_wait3A_51] : memref<80x128xi32, #tpu.memory_space<vmem>> -> memref<1x128xi32, #tpu.memory_space<vmem>>
    %dma_wait3A_53 = tpu.memref_squeeze %dma_wait3A_52 : memref<1x128xi32, #tpu.memory_space<vmem>> -> memref<128xi32, #tpu.memory_space<vmem>>
    %dma_wait3A_54 = arith.constant 0 : i32
    %dma_wait3A_55 = arith.constant 0 : i32
    %dma_wait3A_56 = tpu.memref_slice %arg2[%dma_wait3A_54, %dma_wait3A_55] : memref<10000x128xf32, #tpu.memory_space<hbm>> -> memref<10000x128xf32, #tpu.memory_space<hbm>>
    tpu.wait_indirect_dma semaphore(%arg14 : memref<!tpu.dma_semaphore, #tpu.memory_space<semaphore_mem>>) src(%dma_wait3A_56 : memref<10000x128xf32, #tpu.memory_space<hbm>>) dst(%arg9 : memref<128x128xf32, #tpu.memory_space<vmem>>)
    %dma_wait3A_57 = arith.constant 79 : i32
    %dma_wait3A_58 = arith.constant 0 : i32
    %dma_wait3A_59 = tpu.memref_slice %arg4[%add3A, %dma_wait3A_57, %dma_wait3A_58] : memref<32x80x128xi32, #tpu.memory_space<hbm>> -> memref<1x1x128xi32, #tpu.memory_space<hbm>>
    %dma_wait3A_60 = tpu.memref_squeeze %dma_wait3A_59 : memref<1x1x128xi32, #tpu.memory_space<hbm>> -> memref<1x128xi32, #tpu.memory_space<hbm>>
    %dma_wait3A_61 = arith.constant 79 : i32
    %dma_wait3A_62 = arith.constant 0 : i32
    %dma_wait3A_63 = tpu.memref_slice %arg4[%add3A, %dma_wait3A_61, %dma_wait3A_62] : memref<32x80x128xi32, #tpu.memory_space<hbm>> -> memref<1x1x128xi32, #tpu.memory_space<hbm>>
    %dma_wait3A_64 = tpu.memref_squeeze %dma_wait3A_63 : memref<1x1x128xi32, #tpu.memory_space<hbm>> -> memref<1x128xi32, #tpu.memory_space<hbm>>
    tpu.wait_dma2 semaphore(%arg16 : memref<!tpu.dma_semaphore, #tpu.memory_space<semaphore_mem>>) src(%dma_wait3A_64 : memref<1x128xi32, #tpu.memory_space<hbm>>) dst(%arg11 : memref<1x128xi32, #tpu.memory_space<vmem>>)
    %run_scoped3A_65 = arith.constant 0 : i32
    "tpu.region"() ({
      %run_scoped3A_67 = tpu.sem_alloc : memref<!tpu.dma_semaphore, #tpu.memory_space<semaphore_mem>>
      %dma_start3A_68 = arith.constant 0 : i32
      %dma_start3A_69 = tpu.memref_slice %arg11[%run_scoped3A_65, %dma_start3A_68] : memref<1x128xi32, #tpu.memory_space<vmem>> -> memref<1x128xi32, #tpu.memory_space<vmem>>
      %dma_start3A_70 = tpu.memref_squeeze %dma_start3A_69 : memref<1x128xi32, #tpu.memory_space<vmem>> -> memref<128xi32, #tpu.memory_space<vmem>>
      %dma_start3A_71 = arith.constant 0 : i32
      %dma_start3A_72 = arith.constant 0 : i32
      %dma_start3A_73 = tpu.memref_slice %arg12[%dma_start3A_71, %dma_start3A_72] : memref<10112x128xf32, #tpu.memory_space<vmem_shared>> -> memref<10112x128xf32, #tpu.memory_space<vmem_shared>>
      tpu.enqueue_indirect_dma source(%arg9 : memref<128x128xf32, #tpu.memory_space<vmem>>) target(%dma_start3A_73 : memref<10112x128xf32, #tpu.memory_space<vmem_shared>>) offsets(%dma_start3A_70 : memref<128xi32, #tpu.memory_space<vmem>>) semaphore(%run_scoped3A_67 : memref<!tpu.dma_semaphore, #tpu.memory_space<semaphore_mem>>) {add = true}
      %dma_wait3A_74 = arith.constant 0 : i32
      %dma_wait3A_75 = tpu.memref_slice %arg11[%run_scoped3A_65, %dma_wait3A_74] : memref<1x128xi32, #tpu.memory_space<vmem>> -> memref<1x128xi32, #tpu.memory_space<vmem>>
      %dma_wait3A_76 = tpu.memref_squeeze %dma_wait3A_75 : memref<1x128xi32, #tpu.memory_space<vmem>> -> memref<128xi32, #tpu.memory_space<vmem>>
      %dma_wait3A_77 = arith.constant 0 : i32
      %dma_wait3A_78 = arith.constant 0 : i32
      %dma_wait3A_79 = tpu.memref_slice %arg12[%dma_wait3A_77, %dma_wait3A_78] : memref<10112x128xf32, #tpu.memory_space<vmem_shared>> -> memref<10112x128xf32, #tpu.memory_space<vmem_shared>>
      tpu.wait_indirect_dma semaphore(%run_scoped3A_67 : memref<!tpu.dma_semaphore, #tpu.memory_space<semaphore_mem>>) src(%arg9 : memref<128x128xf32, #tpu.memory_space<vmem>>) dst(%dma_wait3A_79 : memref<10112x128xf32, #tpu.memory_space<vmem_shared>>)
      tpu.yield
    }) : () -> ()
    %barrier3A_66 = arith.constant 0 : index
    tpu.barrier barrier_id(%barrier3A_66)
    "tpu.region"() ({
      %run_scoped3A_67 = tpu.sem_alloc : memref<!tpu.dma_semaphore, #tpu.memory_space<semaphore_mem>>
      %dma_start3A_68 = arith.constant 0 : i32
      %dma_start3A_69 = tpu.memref_slice %arg6[%arg0, %mul3A_2, %dma_start3A_68] : memref<2x10112x128xf32, #tpu.memory_space<hbm>> -> memref<1x632x128xf32, #tpu.memory_space<hbm>>
      %dma_start3A_70 = tpu.memref_squeeze %dma_start3A_69 : memref<1x632x128xf32, #tpu.memory_space<hbm>> -> memref<632x128xf32, #tpu.memory_space<hbm>>
      %dma_start3A_71 = arith.constant 0 : i32
      %dma_start3A_72 = tpu.memref_slice %arg12[%mul3A_2, %dma_start3A_71] : memref<10112x128xf32, #tpu.memory_space<vmem_shared>> -> memref<632x128xf32, #tpu.memory_space<vmem_shared>>
      tpu.enqueue_dma source(%dma_start3A_72 : memref<632x128xf32, #tpu.memory_space<vmem_shared>>) target(%dma_start3A_70 : memref<632x128xf32, #tpu.memory_space<hbm>>) target_semaphore(%run_scoped3A_67 : memref<!tpu.dma_semaphore, #tpu.memory_space<semaphore_mem>>)
      %dma_wait3A_73 = arith.constant 0 : i32
      %dma_wait3A_74 = tpu.memref_slice %arg6[%arg0, %mul3A_2, %dma_wait3A_73] : memref<2x10112x128xf32, #tpu.memory_space<hbm>> -> memref<1x632x128xf32, #tpu.memory_space<hbm>>
      %dma_wait3A_75 = tpu.memref_squeeze %dma_wait3A_74 : memref<1x632x128xf32, #tpu.memory_space<hbm>> -> memref<632x128xf32, #tpu.memory_space<hbm>>
      %dma_wait3A_76 = arith.constant 0 : i32
      %dma_wait3A_77 = tpu.memref_slice %arg12[%mul3A_2, %dma_wait3A_76] : memref<10112x128xf32, #tpu.memory_space<vmem_shared>> -> memref<632x128xf32, #tpu.memory_space<vmem_shared>>
      tpu.wait_dma2 semaphore(%run_scoped3A_67 : memref<!tpu.dma_semaphore, #tpu.memory_space<semaphore_mem>>) src(%dma_wait3A_77 : memref<632x128xf32, #tpu.memory_space<vmem_shared>>) dst(%dma_wait3A_75 : memref<632x128xf32, #tpu.memory_space<hbm>>)
      tpu.yield
    }) : () -> ()
    return
  }
}

#map = affine_map<(d0, d1) -> (0, 0)>
#map1 = affine_map<(d0, d1) -> (0, 0, 0)>
module attributes {stable_mosaic.version = 14 : i64} {
  func.func @msg_k(%arg0: i32, %arg1: i32, %arg2: memref<10000x128xf32, #tpu.memory_space<hbm>>, %arg3: memref<32x80x128xi32, #tpu.memory_space<hbm>>, %arg4: memref<32x80x128xi32, #tpu.memory_space<hbm>>, %arg5: memref<10112x128xf32, #tpu.memory_space<hbm>>, %arg6: memref<2x10112x128xf32, #tpu.memory_space<hbm>>, %arg7: memref<80x128xi32, #tpu.memory_space<vmem>>, %arg8: memref<128x128xf32, #tpu.memory_space<vmem>>, %arg9: memref<128x128xf32, #tpu.memory_space<vmem>>, %arg10: memref<1x128xi32, #tpu.memory_space<vmem>>, %arg11: memref<1x128xi32, #tpu.memory_space<vmem>>, %arg12: memref<10112x128xf32, #tpu.memory_space<vmem_shared>>, %arg13: memref<!tpu.dma_semaphore, #tpu.memory_space<semaphore_mem>>, %arg14: memref<!tpu.dma_semaphore, #tpu.memory_space<semaphore_mem>>, %arg15: memref<!tpu.dma_semaphore, #tpu.memory_space<semaphore_mem>>, %arg16: memref<!tpu.dma_semaphore, #tpu.memory_space<semaphore_mem>>) attributes {dimension_semantics = [#tpu.dimension_semantics<core_parallel>, #tpu.dimension_semantics<subcore_parallel>], iteration_bounds = array<i64: 2, 16>, scalar_prefetch = 0 : i64, scratch_operands = 10 : i64, tpu.core_type = #tpu.core_type<sc_vector_subcore>, window_params = [{transform_indices = #map}, {transform_indices = #map1}, {transform_indices = #map1}, {transform_indices = #map}, {transform_indices = #map1}]} {
    %mul3A = arith.constant 2 : i32
    %mul3A_0 = arith.muli %arg1, %mul3A : i32
    %add3A = arith.addi %mul3A_0, %arg0 : i32
    %mul3A_1 = arith.constant 632 : i32
    %mul3A_2 = arith.muli %arg1, %mul3A_1 : i32
    "tpu.region"() ({
      %run_scoped3A_67 = tpu.sem_alloc : memref<!tpu.dma_semaphore, #tpu.memory_space<semaphore_mem>>
      %dma_start3A_68 = arith.constant 0 : i32
      %dma_start3A_69 = tpu.memref_slice %arg12[%mul3A_2, %dma_start3A_68] : memref<10112x128xf32, #tpu.memory_space<vmem_shared>> -> memref<632x128xf32, #tpu.memory_space<vmem_shared>>
      %dma_start3A_70 = arith.constant 0 : i32
      %dma_start3A_71 = tpu.memref_slice %arg5[%mul3A_2, %dma_start3A_70] : memref<10112x128xf32, #tpu.memory_space<hbm>> -> memref<632x128xf32, #tpu.memory_space<hbm>>
      tpu.enqueue_dma source(%dma_start3A_71 : memref<632x128xf32, #tpu.memory_space<hbm>>) target(%dma_start3A_69 : memref<632x128xf32, #tpu.memory_space<vmem_shared>>) target_semaphore(%run_scoped3A_67 : memref<!tpu.dma_semaphore, #tpu.memory_space<semaphore_mem>>)
      %dma_wait3A_72 = arith.constant 0 : i32
      %dma_wait3A_73 = tpu.memref_slice %arg12[%mul3A_2, %dma_wait3A_72] : memref<10112x128xf32, #tpu.memory_space<vmem_shared>> -> memref<632x128xf32, #tpu.memory_space<vmem_shared>>
      %dma_wait3A_74 = arith.constant 0 : i32
      %dma_wait3A_75 = tpu.memref_slice %arg5[%mul3A_2, %dma_wait3A_74] : memref<10112x128xf32, #tpu.memory_space<hbm>> -> memref<632x128xf32, #tpu.memory_space<hbm>>
      tpu.wait_dma2 semaphore(%run_scoped3A_67 : memref<!tpu.dma_semaphore, #tpu.memory_space<semaphore_mem>>) src(%dma_wait3A_75 : memref<632x128xf32, #tpu.memory_space<hbm>>) dst(%dma_wait3A_73 : memref<632x128xf32, #tpu.memory_space<vmem_shared>>)
      tpu.yield
    }) : () -> ()
    "tpu.region"() ({
      %run_scoped3A_67 = tpu.sem_alloc : memref<!tpu.dma_semaphore, #tpu.memory_space<semaphore_mem>>
      %dma_start3A_68 = arith.constant 0 : i32
      %dma_start3A_69 = arith.constant 0 : i32
      %dma_start3A_70 = tpu.memref_slice %arg3[%add3A, %dma_start3A_68, %dma_start3A_69] : memref<32x80x128xi32, #tpu.memory_space<hbm>> -> memref<1x80x128xi32, #tpu.memory_space<hbm>>
      %dma_start3A_71 = tpu.memref_squeeze %dma_start3A_70 : memref<1x80x128xi32, #tpu.memory_space<hbm>> -> memref<80x128xi32, #tpu.memory_space<hbm>>
      %dma_start3A_72 = arith.constant 0 : i32
      %dma_start3A_73 = arith.constant 0 : i32
      %dma_start3A_74 = tpu.memref_slice %arg3[%add3A, %dma_start3A_72, %dma_start3A_73] : memref<32x80x128xi32, #tpu.memory_space<hbm>> -> memref<1x80x128xi32, #tpu.memory_space<hbm>>
      %dma_start3A_75 = tpu.memref_squeeze %dma_start3A_74 : memref<1x80x128xi32, #tpu.memory_space<hbm>> -> memref<80x128xi32, #tpu.memory_space<hbm>>
      tpu.enqueue_dma source(%dma_start3A_75 : memref<80x128xi32, #tpu.memory_space<hbm>>) target(%arg7 : memref<80x128xi32, #tpu.memory_space<vmem>>) target_semaphore(%run_scoped3A_67 : memref<!tpu.dma_semaphore, #tpu.memory_space<semaphore_mem>>)
      %dma_wait3A_76 = arith.constant 0 : i32
      %dma_wait3A_77 = arith.constant 0 : i32
      %dma_wait3A_78 = tpu.memref_slice %arg3[%add3A, %dma_wait3A_76, %dma_wait3A_77] : memref<32x80x128xi32, #tpu.memory_space<hbm>> -> memref<1x80x128xi32, #tpu.memory_space<hbm>>
      %dma_wait3A_79 = tpu.memref_squeeze %dma_wait3A_78 : memref<1x80x128xi32, #tpu.memory_space<hbm>> -> memref<80x128xi32, #tpu.memory_space<hbm>>
      %dma_wait3A_80 = arith.constant 0 : i32
      %dma_wait3A_81 = arith.constant 0 : i32
      %dma_wait3A_82 = tpu.memref_slice %arg3[%add3A, %dma_wait3A_80, %dma_wait3A_81] : memref<32x80x128xi32, #tpu.memory_space<hbm>> -> memref<1x80x128xi32, #tpu.memory_space<hbm>>
      %dma_wait3A_83 = tpu.memref_squeeze %dma_wait3A_82 : memref<1x80x128xi32, #tpu.memory_space<hbm>> -> memref<80x128xi32, #tpu.memory_space<hbm>>
      tpu.wait_dma2 semaphore(%run_scoped3A_67 : memref<!tpu.dma_semaphore, #tpu.memory_space<semaphore_mem>>) src(%dma_wait3A_83 : memref<80x128xi32, #tpu.memory_space<hbm>>) dst(%arg7 : memref<80x128xi32, #tpu.memory_space<vmem>>)
      tpu.yield
    }) : () -> ()
    %barrier3A = arith.constant 0 : index
    tpu.barrier barrier_id(%barrier3A)
    %dma_start3A = arith.constant 0 : i32
    %dma_start3A_3 = arith.constant 0 : i32
    %dma_start3A_4 = tpu.memref_slice %arg4[%add3A, %dma_start3A, %dma_start3A_3] : memref<32x80x128xi32, #tpu.memory_space<hbm>> -> memref<1x1x128xi32, #tpu.memory_space<hbm>>
    %dma_start3A_5 = tpu.memref_squeeze %dma_start3A_4 : memref<1x1x128xi32, #tpu.memory_space<hbm>> -> memref<1x128xi32, #tpu.memory_space<hbm>>
    %dma_start3A_6 = arith.constant 0 : i32
    %dma_start3A_7 = arith.constant 0 : i32
    %dma_start3A_8 = tpu.memref_slice %arg4[%add3A, %dma_start3A_6, %dma_start3A_7] : memref<32x80x128xi32, #tpu.memory_space<hbm>> -> memref<1x1x128xi32, #tpu.memory_space<hbm>>
    %dma_start3A_9 = tpu.memref_squeeze %dma_start3A_8 : memref<1x1x128xi32, #tpu.memory_space<hbm>> -> memref<1x128xi32, #tpu.memory_space<hbm>>
    tpu.enqueue_dma source(%dma_start3A_9 : memref<1x128xi32, #tpu.memory_space<hbm>>) target(%arg10 : memref<1x128xi32, #tpu.memory_space<vmem>>) target_semaphore(%arg15 : memref<!tpu.dma_semaphore, #tpu.memory_space<semaphore_mem>>)
    %dma_start3A_10 = arith.constant 0 : i32
    %dma_start3A_11 = arith.constant 0 : i32
    %dma_start3A_12 = tpu.memref_slice %arg7[%dma_start3A_10, %dma_start3A_11] : memref<80x128xi32, #tpu.memory_space<vmem>> -> memref<1x128xi32, #tpu.memory_space<vmem>>
    %dma_start3A_13 = tpu.memref_squeeze %dma_start3A_12 : memref<1x128xi32, #tpu.memory_space<vmem>> -> memref<128xi32, #tpu.memory_space<vmem>>
    %dma_start3A_14 = arith.constant 0 : i32
    %dma_start3A_15 = arith.constant 0 : i32
    %dma_start3A_16 = tpu.memref_slice %arg2[%dma_start3A_14, %dma_start3A_15] : memref<10000x128xf32, #tpu.memory_space<hbm>> -> memref<10000x128xf32, #tpu.memory_space<hbm>>
    tpu.enqueue_indirect_dma source(%dma_start3A_16 : memref<10000x128xf32, #tpu.memory_space<hbm>>) target(%arg8 : memref<128x128xf32, #tpu.memory_space<vmem>>) offsets(%dma_start3A_13 : memref<128xi32, #tpu.memory_space<vmem>>) semaphore(%arg13 : memref<!tpu.dma_semaphore, #tpu.memory_space<semaphore_mem>>)
    %dma_start3A_17 = arith.constant 1 : i32
    %dma_start3A_18 = arith.constant 0 : i32
    %dma_start3A_19 = tpu.memref_slice %arg4[%add3A, %dma_start3A_17, %dma_start3A_18] : memref<32x80x128xi32, #tpu.memory_space<hbm>> -> memref<1x1x128xi32, #tpu.memory_space<hbm>>
    %dma_start3A_20 = tpu.memref_squeeze %dma_start3A_19 : memref<1x1x128xi32, #tpu.memory_space<hbm>> -> memref<1x128xi32, #tpu.memory_space<hbm>>
    %dma_start3A_21 = arith.constant 1 : i32
    %dma_start3A_22 = arith.constant 0 : i32
    %dma_start3A_23 = tpu.memref_slice %arg4[%add3A, %dma_start3A_21, %dma_start3A_22] : memref<32x80x128xi32, #tpu.memory_space<hbm>> -> memref<1x1x128xi32, #tpu.memory_space<hbm>>
    %dma_start3A_24 = tpu.memref_squeeze %dma_start3A_23 : memref<1x1x128xi32, #tpu.memory_space<hbm>> -> memref<1x128xi32, #tpu.memory_space<hbm>>
    tpu.enqueue_dma source(%dma_start3A_24 : memref<1x128xi32, #tpu.memory_space<hbm>>) target(%arg11 : memref<1x128xi32, #tpu.memory_space<vmem>>) target_semaphore(%arg16 : memref<!tpu.dma_semaphore, #tpu.memory_space<semaphore_mem>>)
    %dma_start3A_25 = arith.constant 1 : i32
    %dma_start3A_26 = arith.constant 0 : i32
    %dma_start3A_27 = tpu.memref_slice %arg7[%dma_start3A_25, %dma_start3A_26] : memref<80x128xi32, #tpu.memory_space<vmem>> -> memref<1x128xi32, #tpu.memory_space<vmem>>
    %dma_start3A_28 = tpu.memref_squeeze %dma_start3A_27 : memref<1x128xi32, #tpu.memory_space<vmem>> -> memref<128xi32, #tpu.memory_space<vmem>>
    %dma_start3A_29 = arith.constant 0 : i32
    %dma_start3A_30 = arith.constant 0 : i32
    %dma_start3A_31 = tpu.memref_slice %arg2[%dma_start3A_29, %dma_start3A_30] : memref<10000x128xf32, #tpu.memory_space<hbm>> -> memref<10000x128xf32, #tpu.memory_space<hbm>>
    tpu.enqueue_indirect_dma source(%dma_start3A_31 : memref<10000x128xf32, #tpu.memory_space<hbm>>) target(%arg9 : memref<128x128xf32, #tpu.memory_space<vmem>>) offsets(%dma_start3A_28 : memref<128xi32, #tpu.memory_space<vmem>>) semaphore(%arg14 : memref<!tpu.dma_semaphore, #tpu.memory_space<semaphore_mem>>)
    %scan3A = arith.constant 0 : i32
    %scan3A_32 = arith.constant 39 : i32
    %scan3A_33 = arith.addi %scan3A, %scan3A_32 : i32
    %scan3A_34 = arith.constant 1 : i32
    scf.for %scan3A_67 = %scan3A to %scan3A_33 step %scan3A_34  : i32 {
      %mul3A_68 = arith.constant 2 : i32
      %mul3A_69 = arith.muli %scan3A_67, %mul3A_68 : i32
      %add3A_70 = arith.constant 0 : i32
      %add3A_71 = arith.addi %add3A_70, %mul3A_69 : i32
      %add3A_72 = arith.constant 0 : i32
      %add3A_73 = arith.addi %add3A_71, %add3A_72 : i32
      %dma_wait3A_74 = arith.constant 0 : i32
      %dma_wait3A_75 = tpu.memref_slice %arg7[%add3A_73, %dma_wait3A_74] : memref<80x128xi32, #tpu.memory_space<vmem>> -> memref<1x128xi32, #tpu.memory_space<vmem>>
      %dma_wait3A_76 = tpu.memref_squeeze %dma_wait3A_75 : memref<1x128xi32, #tpu.memory_space<vmem>> -> memref<128xi32, #tpu.memory_space<vmem>>
      %dma_wait3A_77 = arith.constant 0 : i32
      %dma_wait3A_78 = arith.constant 0 : i32
      %dma_wait3A_79 = tpu.memref_slice %arg2[%dma_wait3A_77, %dma_wait3A_78] : memref<10000x128xf32, #tpu.memory_space<hbm>> -> memref<10000x128xf32, #tpu.memory_space<hbm>>
      tpu.wait_indirect_dma semaphore(%arg13 : memref<!tpu.dma_semaphore, #tpu.memory_space<semaphore_mem>>) src(%dma_wait3A_79 : memref<10000x128xf32, #tpu.memory_space<hbm>>) dst(%arg8 : memref<128x128xf32, #tpu.memory_space<vmem>>)
      %dma_wait3A_80 = arith.constant 0 : i32
      %dma_wait3A_81 = tpu.memref_slice %arg4[%add3A, %add3A_73, %dma_wait3A_80] : memref<32x80x128xi32, #tpu.memory_space<hbm>> -> memref<1x1x128xi32, #tpu.memory_space<hbm>>
      %dma_wait3A_82 = tpu.memref_squeeze %dma_wait3A_81 : memref<1x1x128xi32, #tpu.memory_space<hbm>> -> memref<1x128xi32, #tpu.memory_space<hbm>>
      %dma_wait3A_83 = arith.constant 0 : i32
      %dma_wait3A_84 = tpu.memref_slice %arg4[%add3A, %add3A_73, %dma_wait3A_83] : memref<32x80x128xi32, #tpu.memory_space<hbm>> -> memref<1x1x128xi32, #tpu.memory_space<hbm>>
      %dma_wait3A_85 = tpu.memref_squeeze %dma_wait3A_84 : memref<1x1x128xi32, #tpu.memory_space<hbm>> -> memref<1x128xi32, #tpu.memory_space<hbm>>
      tpu.wait_dma2 semaphore(%arg15 : memref<!tpu.dma_semaphore, #tpu.memory_space<semaphore_mem>>) src(%dma_wait3A_85 : memref<1x128xi32, #tpu.memory_space<hbm>>) dst(%arg10 : memref<1x128xi32, #tpu.memory_space<vmem>>)
      %run_scoped3A_86 = arith.constant 0 : i32
      "tpu.region"() ({
        %run_scoped3A_134 = tpu.sem_alloc : memref<!tpu.dma_semaphore, #tpu.memory_space<semaphore_mem>>
        %dma_start3A_135 = arith.constant 0 : i32
        %dma_start3A_136 = tpu.memref_slice %arg10[%run_scoped3A_86, %dma_start3A_135] : memref<1x128xi32, #tpu.memory_space<vmem>> -> memref<1x128xi32, #tpu.memory_space<vmem>>
        %dma_start3A_137 = tpu.memref_squeeze %dma_start3A_136 : memref<1x128xi32, #tpu.memory_space<vmem>> -> memref<128xi32, #tpu.memory_space<vmem>>
        %dma_start3A_138 = arith.constant 0 : i32
        %dma_start3A_139 = arith.constant 0 : i32
        %dma_start3A_140 = tpu.memref_slice %arg12[%dma_start3A_138, %dma_start3A_139] : memref<10112x128xf32, #tpu.memory_space<vmem_shared>> -> memref<10112x128xf32, #tpu.memory_space<vmem_shared>>
        tpu.enqueue_indirect_dma source(%arg8 : memref<128x128xf32, #tpu.memory_space<vmem>>) target(%dma_start3A_140 : memref<10112x128xf32, #tpu.memory_space<vmem_shared>>) offsets(%dma_start3A_137 : memref<128xi32, #tpu.memory_space<vmem>>) semaphore(%run_scoped3A_134 : memref<!tpu.dma_semaphore, #tpu.memory_space<semaphore_mem>>) {add = true}
        %dma_wait3A_141 = arith.constant 0 : i32
        %dma_wait3A_142 = tpu.memref_slice %arg10[%run_scoped3A_86, %dma_wait3A_141] : memref<1x128xi32, #tpu.memory_space<vmem>> -> memref<1x128xi32, #tpu.memory_space<vmem>>
        %dma_wait3A_143 = tpu.memref_squeeze %dma_wait3A_142 : memref<1x128xi32, #tpu.memory_space<vmem>> -> memref<128xi32, #tpu.memory_space<vmem>>
        %dma_wait3A_144 = arith.constant 0 : i32
        %dma_wait3A_145 = arith.constant 0 : i32
        %dma_wait3A_146 = tpu.memref_slice %arg12[%dma_wait3A_144, %dma_wait3A_145] : memref<10112x128xf32, #tpu.memory_space<vmem_shared>> -> memref<10112x128xf32, #tpu.memory_space<vmem_shared>>
        tpu.wait_indirect_dma semaphore(%run_scoped3A_134 : memref<!tpu.dma_semaphore, #tpu.memory_space<semaphore_mem>>) src(%arg8 : memref<128x128xf32, #tpu.memory_space<vmem>>) dst(%dma_wait3A_146 : memref<10112x128xf32, #tpu.memory_space<vmem_shared>>)
        tpu.yield
      }) : () -> ()
      %add3A_87 = arith.constant 2 : i32
      %add3A_88 = arith.addi %add3A_73, %add3A_87 : i32
      %dma_start3A_89 = arith.constant 0 : i32
      %dma_start3A_90 = tpu.memref_slice %arg4[%add3A, %add3A_88, %dma_start3A_89] : memref<32x80x128xi32, #tpu.memory_space<hbm>> -> memref<1x1x128xi32, #tpu.memory_space<hbm>>
      %dma_start3A_91 = tpu.memref_squeeze %dma_start3A_90 : memref<1x1x128xi32, #tpu.memory_space<hbm>> -> memref<1x128xi32, #tpu.memory_space<hbm>>
      %dma_start3A_92 = arith.constant 0 : i32
      %dma_start3A_93 = tpu.memref_slice %arg4[%add3A, %add3A_88, %dma_start3A_92] : memref<32x80x128xi32, #tpu.memory_space<hbm>> -> memref<1x1x128xi32, #tpu.memory_space<hbm>>
      %dma_start3A_94 = tpu.memref_squeeze %dma_start3A_93 : memref<1x1x128xi32, #tpu.memory_space<hbm>> -> memref<1x128xi32, #tpu.memory_space<hbm>>
      tpu.enqueue_dma source(%dma_start3A_94 : memref<1x128xi32, #tpu.memory_space<hbm>>) target(%arg10 : memref<1x128xi32, #tpu.memory_space<vmem>>) target_semaphore(%arg15 : memref<!tpu.dma_semaphore, #tpu.memory_space<semaphore_mem>>)
      %add3A_95 = arith.constant 2 : i32
      %add3A_96 = arith.addi %add3A_73, %add3A_95 : i32
      %dma_start3A_97 = arith.constant 0 : i32
      %dma_start3A_98 = tpu.memref_slice %arg7[%add3A_96, %dma_start3A_97] : memref<80x128xi32, #tpu.memory_space<vmem>> -> memref<1x128xi32, #tpu.memory_space<vmem>>
      %dma_start3A_99 = tpu.memref_squeeze %dma_start3A_98 : memref<1x128xi32, #tpu.memory_space<vmem>> -> memref<128xi32, #tpu.memory_space<vmem>>
      %dma_start3A_100 = arith.constant 0 : i32
      %dma_start3A_101 = arith.constant 0 : i32
      %dma_start3A_102 = tpu.memref_slice %arg2[%dma_start3A_100, %dma_start3A_101] : memref<10000x128xf32, #tpu.memory_space<hbm>> -> memref<10000x128xf32, #tpu.memory_space<hbm>>
      tpu.enqueue_indirect_dma source(%dma_start3A_102 : memref<10000x128xf32, #tpu.memory_space<hbm>>) target(%arg8 : memref<128x128xf32, #tpu.memory_space<vmem>>) offsets(%dma_start3A_99 : memref<128xi32, #tpu.memory_space<vmem>>) semaphore(%arg13 : memref<!tpu.dma_semaphore, #tpu.memory_space<semaphore_mem>>)
      %add3A_103 = arith.constant 1 : i32
      %add3A_104 = arith.addi %add3A_71, %add3A_103 : i32
      %dma_wait3A_105 = arith.constant 0 : i32
      %dma_wait3A_106 = tpu.memref_slice %arg7[%add3A_104, %dma_wait3A_105] : memref<80x128xi32, #tpu.memory_space<vmem>> -> memref<1x128xi32, #tpu.memory_space<vmem>>
      %dma_wait3A_107 = tpu.memref_squeeze %dma_wait3A_106 : memref<1x128xi32, #tpu.memory_space<vmem>> -> memref<128xi32, #tpu.memory_space<vmem>>
      %dma_wait3A_108 = arith.constant 0 : i32
      %dma_wait3A_109 = arith.constant 0 : i32
      %dma_wait3A_110 = tpu.memref_slice %arg2[%dma_wait3A_108, %dma_wait3A_109] : memref<10000x128xf32, #tpu.memory_space<hbm>> -> memref<10000x128xf32, #tpu.memory_space<hbm>>
      tpu.wait_indirect_dma semaphore(%arg14 : memref<!tpu.dma_semaphore, #tpu.memory_space<semaphore_mem>>) src(%dma_wait3A_110 : memref<10000x128xf32, #tpu.memory_space<hbm>>) dst(%arg9 : memref<128x128xf32, #tpu.memory_space<vmem>>)
      %dma_wait3A_111 = arith.constant 0 : i32
      %dma_wait3A_112 = tpu.memref_slice %arg4[%add3A, %add3A_104, %dma_wait3A_111] : memref<32x80x128xi32, #tpu.memory_space<hbm>> -> memref<1x1x128xi32, #tpu.memory_space<hbm>>
      %dma_wait3A_113 = tpu.memref_squeeze %dma_wait3A_112 : memref<1x1x128xi32, #tpu.memory_space<hbm>> -> memref<1x128xi32, #tpu.memory_space<hbm>>
      %dma_wait3A_114 = arith.constant 0 : i32
      %dma_wait3A_115 = tpu.memref_slice %arg4[%add3A, %add3A_104, %dma_wait3A_114] : memref<32x80x128xi32, #tpu.memory_space<hbm>> -> memref<1x1x128xi32, #tpu.memory_space<hbm>>
      %dma_wait3A_116 = tpu.memref_squeeze %dma_wait3A_115 : memref<1x1x128xi32, #tpu.memory_space<hbm>> -> memref<1x128xi32, #tpu.memory_space<hbm>>
      tpu.wait_dma2 semaphore(%arg16 : memref<!tpu.dma_semaphore, #tpu.memory_space<semaphore_mem>>) src(%dma_wait3A_116 : memref<1x128xi32, #tpu.memory_space<hbm>>) dst(%arg11 : memref<1x128xi32, #tpu.memory_space<vmem>>)
      %run_scoped3A_117 = arith.constant 0 : i32
      "tpu.region"() ({
        %run_scoped3A_134 = tpu.sem_alloc : memref<!tpu.dma_semaphore, #tpu.memory_space<semaphore_mem>>
        %dma_start3A_135 = arith.constant 0 : i32
        %dma_start3A_136 = tpu.memref_slice %arg11[%run_scoped3A_117, %dma_start3A_135] : memref<1x128xi32, #tpu.memory_space<vmem>> -> memref<1x128xi32, #tpu.memory_space<vmem>>
        %dma_start3A_137 = tpu.memref_squeeze %dma_start3A_136 : memref<1x128xi32, #tpu.memory_space<vmem>> -> memref<128xi32, #tpu.memory_space<vmem>>
        %dma_start3A_138 = arith.constant 0 : i32
        %dma_start3A_139 = arith.constant 0 : i32
        %dma_start3A_140 = tpu.memref_slice %arg12[%dma_start3A_138, %dma_start3A_139] : memref<10112x128xf32, #tpu.memory_space<vmem_shared>> -> memref<10112x128xf32, #tpu.memory_space<vmem_shared>>
        tpu.enqueue_indirect_dma source(%arg9 : memref<128x128xf32, #tpu.memory_space<vmem>>) target(%dma_start3A_140 : memref<10112x128xf32, #tpu.memory_space<vmem_shared>>) offsets(%dma_start3A_137 : memref<128xi32, #tpu.memory_space<vmem>>) semaphore(%run_scoped3A_134 : memref<!tpu.dma_semaphore, #tpu.memory_space<semaphore_mem>>) {add = true}
        %dma_wait3A_141 = arith.constant 0 : i32
        %dma_wait3A_142 = tpu.memref_slice %arg11[%run_scoped3A_117, %dma_wait3A_141] : memref<1x128xi32, #tpu.memory_space<vmem>> -> memref<1x128xi32, #tpu.memory_space<vmem>>
        %dma_wait3A_143 = tpu.memref_squeeze %dma_wait3A_142 : memref<1x128xi32, #tpu.memory_space<vmem>> -> memref<128xi32, #tpu.memory_space<vmem>>
        %dma_wait3A_144 = arith.constant 0 : i32
        %dma_wait3A_145 = arith.constant 0 : i32
        %dma_wait3A_146 = tpu.memref_slice %arg12[%dma_wait3A_144, %dma_wait3A_145] : memref<10112x128xf32, #tpu.memory_space<vmem_shared>> -> memref<10112x128xf32, #tpu.memory_space<vmem_shared>>
        tpu.wait_indirect_dma semaphore(%run_scoped3A_134 : memref<!tpu.dma_semaphore, #tpu.memory_space<semaphore_mem>>) src(%arg9 : memref<128x128xf32, #tpu.memory_space<vmem>>) dst(%dma_wait3A_146 : memref<10112x128xf32, #tpu.memory_space<vmem_shared>>)
        tpu.yield
      }) : () -> ()
      %add3A_118 = arith.constant 2 : i32
      %add3A_119 = arith.addi %add3A_104, %add3A_118 : i32
      %dma_start3A_120 = arith.constant 0 : i32
      %dma_start3A_121 = tpu.memref_slice %arg4[%add3A, %add3A_119, %dma_start3A_120] : memref<32x80x128xi32, #tpu.memory_space<hbm>> -> memref<1x1x128xi32, #tpu.memory_space<hbm>>
      %dma_start3A_122 = tpu.memref_squeeze %dma_start3A_121 : memref<1x1x128xi32, #tpu.memory_space<hbm>> -> memref<1x128xi32, #tpu.memory_space<hbm>>
      %dma_start3A_123 = arith.constant 0 : i32
      %dma_start3A_124 = tpu.memref_slice %arg4[%add3A, %add3A_119, %dma_start3A_123] : memref<32x80x128xi32, #tpu.memory_space<hbm>> -> memref<1x1x128xi32, #tpu.memory_space<hbm>>
      %dma_start3A_125 = tpu.memref_squeeze %dma_start3A_124 : memref<1x1x128xi32, #tpu.memory_space<hbm>> -> memref<1x128xi32, #tpu.memory_space<hbm>>
      tpu.enqueue_dma source(%dma_start3A_125 : memref<1x128xi32, #tpu.memory_space<hbm>>) target(%arg11 : memref<1x128xi32, #tpu.memory_space<vmem>>) target_semaphore(%arg16 : memref<!tpu.dma_semaphore, #tpu.memory_space<semaphore_mem>>)
      %add3A_126 = arith.constant 2 : i32
      %add3A_127 = arith.addi %add3A_104, %add3A_126 : i32
      %dma_start3A_128 = arith.constant 0 : i32
      %dma_start3A_129 = tpu.memref_slice %arg7[%add3A_127, %dma_start3A_128] : memref<80x128xi32, #tpu.memory_space<vmem>> -> memref<1x128xi32, #tpu.memory_space<vmem>>
      %dma_start3A_130 = tpu.memref_squeeze %dma_start3A_129 : memref<1x128xi32, #tpu.memory_space<vmem>> -> memref<128xi32, #tpu.memory_space<vmem>>
      %dma_start3A_131 = arith.constant 0 : i32
      %dma_start3A_132 = arith.constant 0 : i32
      %dma_start3A_133 = tpu.memref_slice %arg2[%dma_start3A_131, %dma_start3A_132] : memref<10000x128xf32, #tpu.memory_space<hbm>> -> memref<10000x128xf32, #tpu.memory_space<hbm>>
      tpu.enqueue_indirect_dma source(%dma_start3A_133 : memref<10000x128xf32, #tpu.memory_space<hbm>>) target(%arg9 : memref<128x128xf32, #tpu.memory_space<vmem>>) offsets(%dma_start3A_130 : memref<128xi32, #tpu.memory_space<vmem>>) semaphore(%arg14 : memref<!tpu.dma_semaphore, #tpu.memory_space<semaphore_mem>>)
    }
    %scan3A_35 = arith.constant 39 : i32
    %dma_wait3A = arith.constant 78 : i32
    %dma_wait3A_36 = arith.constant 0 : i32
    %dma_wait3A_37 = tpu.memref_slice %arg7[%dma_wait3A, %dma_wait3A_36] : memref<80x128xi32, #tpu.memory_space<vmem>> -> memref<1x128xi32, #tpu.memory_space<vmem>>
    %dma_wait3A_38 = tpu.memref_squeeze %dma_wait3A_37 : memref<1x128xi32, #tpu.memory_space<vmem>> -> memref<128xi32, #tpu.memory_space<vmem>>
    %dma_wait3A_39 = arith.constant 0 : i32
    %dma_wait3A_40 = arith.constant 0 : i32
    %dma_wait3A_41 = tpu.memref_slice %arg2[%dma_wait3A_39, %dma_wait3A_40] : memref<10000x128xf32, #tpu.memory_space<hbm>> -> memref<10000x128xf32, #tpu.memory_space<hbm>>
    tpu.wait_indirect_dma semaphore(%arg13 : memref<!tpu.dma_semaphore, #tpu.memory_space<semaphore_mem>>) src(%dma_wait3A_41 : memref<10000x128xf32, #tpu.memory_space<hbm>>) dst(%arg8 : memref<128x128xf32, #tpu.memory_space<vmem>>)
    %dma_wait3A_42 = arith.constant 78 : i32
    %dma_wait3A_43 = arith.constant 0 : i32
    %dma_wait3A_44 = tpu.memref_slice %arg4[%add3A, %dma_wait3A_42, %dma_wait3A_43] : memref<32x80x128xi32, #tpu.memory_space<hbm>> -> memref<1x1x128xi32, #tpu.memory_space<hbm>>
    %dma_wait3A_45 = tpu.memref_squeeze %dma_wait3A_44 : memref<1x1x128xi32, #tpu.memory_space<hbm>> -> memref<1x128xi32, #tpu.memory_space<hbm>>
    %dma_wait3A_46 = arith.constant 78 : i32
    %dma_wait3A_47 = arith.constant 0 : i32
    %dma_wait3A_48 = tpu.memref_slice %arg4[%add3A, %dma_wait3A_46, %dma_wait3A_47] : memref<32x80x128xi32, #tpu.memory_space<hbm>> -> memref<1x1x128xi32, #tpu.memory_space<hbm>>
    %dma_wait3A_49 = tpu.memref_squeeze %dma_wait3A_48 : memref<1x1x128xi32, #tpu.memory_space<hbm>> -> memref<1x128xi32, #tpu.memory_space<hbm>>
    tpu.wait_dma2 semaphore(%arg15 : memref<!tpu.dma_semaphore, #tpu.memory_space<semaphore_mem>>) src(%dma_wait3A_49 : memref<1x128xi32, #tpu.memory_space<hbm>>) dst(%arg10 : memref<1x128xi32, #tpu.memory_space<vmem>>)
    %run_scoped3A = arith.constant 0 : i32
    "tpu.region"() ({
      %run_scoped3A_67 = tpu.sem_alloc : memref<!tpu.dma_semaphore, #tpu.memory_space<semaphore_mem>>
      %dma_start3A_68 = arith.constant 0 : i32
      %dma_start3A_69 = tpu.memref_slice %arg10[%run_scoped3A, %dma_start3A_68] : memref<1x128xi32, #tpu.memory_space<vmem>> -> memref<1x128xi32, #tpu.memory_space<vmem>>
      %dma_start3A_70 = tpu.memref_squeeze %dma_start3A_69 : memref<1x128xi32, #tpu.memory_space<vmem>> -> memref<128xi32, #tpu.memory_space<vmem>>
      %dma_start3A_71 = arith.constant 0 : i32
      %dma_start3A_72 = arith.constant 0 : i32
      %dma_start3A_73 = tpu.memref_slice %arg12[%dma_start3A_71, %dma_start3A_72] : memref<10112x128xf32, #tpu.memory_space<vmem_shared>> -> memref<10112x128xf32, #tpu.memory_space<vmem_shared>>
      tpu.enqueue_indirect_dma source(%arg8 : memref<128x128xf32, #tpu.memory_space<vmem>>) target(%dma_start3A_73 : memref<10112x128xf32, #tpu.memory_space<vmem_shared>>) offsets(%dma_start3A_70 : memref<128xi32, #tpu.memory_space<vmem>>) semaphore(%run_scoped3A_67 : memref<!tpu.dma_semaphore, #tpu.memory_space<semaphore_mem>>) {add = true}
      %dma_wait3A_74 = arith.constant 0 : i32
      %dma_wait3A_75 = tpu.memref_slice %arg10[%run_scoped3A, %dma_wait3A_74] : memref<1x128xi32, #tpu.memory_space<vmem>> -> memref<1x128xi32, #tpu.memory_space<vmem>>
      %dma_wait3A_76 = tpu.memref_squeeze %dma_wait3A_75 : memref<1x128xi32, #tpu.memory_space<vmem>> -> memref<128xi32, #tpu.memory_space<vmem>>
      %dma_wait3A_77 = arith.constant 0 : i32
      %dma_wait3A_78 = arith.constant 0 : i32
      %dma_wait3A_79 = tpu.memref_slice %arg12[%dma_wait3A_77, %dma_wait3A_78] : memref<10112x128xf32, #tpu.memory_space<vmem_shared>> -> memref<10112x128xf32, #tpu.memory_space<vmem_shared>>
      tpu.wait_indirect_dma semaphore(%run_scoped3A_67 : memref<!tpu.dma_semaphore, #tpu.memory_space<semaphore_mem>>) src(%arg8 : memref<128x128xf32, #tpu.memory_space<vmem>>) dst(%dma_wait3A_79 : memref<10112x128xf32, #tpu.memory_space<vmem_shared>>)
      tpu.yield
    }) : () -> ()
    %dma_wait3A_50 = arith.constant 79 : i32
    %dma_wait3A_51 = arith.constant 0 : i32
    %dma_wait3A_52 = tpu.memref_slice %arg7[%dma_wait3A_50, %dma_wait3A_51] : memref<80x128xi32, #tpu.memory_space<vmem>> -> memref<1x128xi32, #tpu.memory_space<vmem>>
    %dma_wait3A_53 = tpu.memref_squeeze %dma_wait3A_52 : memref<1x128xi32, #tpu.memory_space<vmem>> -> memref<128xi32, #tpu.memory_space<vmem>>
    %dma_wait3A_54 = arith.constant 0 : i32
    %dma_wait3A_55 = arith.constant 0 : i32
    %dma_wait3A_56 = tpu.memref_slice %arg2[%dma_wait3A_54, %dma_wait3A_55] : memref<10000x128xf32, #tpu.memory_space<hbm>> -> memref<10000x128xf32, #tpu.memory_space<hbm>>
    tpu.wait_indirect_dma semaphore(%arg14 : memref<!tpu.dma_semaphore, #tpu.memory_space<semaphore_mem>>) src(%dma_wait3A_56 : memref<10000x128xf32, #tpu.memory_space<hbm>>) dst(%arg9 : memref<128x128xf32, #tpu.memory_space<vmem>>)
    %dma_wait3A_57 = arith.constant 79 : i32
    %dma_wait3A_58 = arith.constant 0 : i32
    %dma_wait3A_59 = tpu.memref_slice %arg4[%add3A, %dma_wait3A_57, %dma_wait3A_58] : memref<32x80x128xi32, #tpu.memory_space<hbm>> -> memref<1x1x128xi32, #tpu.memory_space<hbm>>
    %dma_wait3A_60 = tpu.memref_squeeze %dma_wait3A_59 : memref<1x1x128xi32, #tpu.memory_space<hbm>> -> memref<1x128xi32, #tpu.memory_space<hbm>>
    %dma_wait3A_61 = arith.constant 79 : i32
    %dma_wait3A_62 = arith.constant 0 : i32
    %dma_wait3A_63 = tpu.memref_slice %arg4[%add3A, %dma_wait3A_61, %dma_wait3A_62] : memref<32x80x128xi32, #tpu.memory_space<hbm>> -> memref<1x1x128xi32, #tpu.memory_space<hbm>>
    %dma_wait3A_64 = tpu.memref_squeeze %dma_wait3A_63 : memref<1x1x128xi32, #tpu.memory_space<hbm>> -> memref<1x128xi32, #tpu.memory_space<hbm>>
    tpu.wait_dma2 semaphore(%arg16 : memref<!tpu.dma_semaphore, #tpu.memory_space<semaphore_mem>>) src(%dma_wait3A_64 : memref<1x128xi32, #tpu.memory_space<hbm>>) dst(%arg11 : memref<1x128xi32, #tpu.memory_space<vmem>>)
    %run_scoped3A_65 = arith.constant 0 : i32
    "tpu.region"() ({
      %run_scoped3A_67 = tpu.sem_alloc : memref<!tpu.dma_semaphore, #tpu.memory_space<semaphore_mem>>
      %dma_start3A_68 = arith.constant 0 : i32
      %dma_start3A_69 = tpu.memref_slice %arg11[%run_scoped3A_65, %dma_start3A_68] : memref<1x128xi32, #tpu.memory_space<vmem>> -> memref<1x128xi32, #tpu.memory_space<vmem>>
      %dma_start3A_70 = tpu.memref_squeeze %dma_start3A_69 : memref<1x128xi32, #tpu.memory_space<vmem>> -> memref<128xi32, #tpu.memory_space<vmem>>
      %dma_start3A_71 = arith.constant 0 : i32
      %dma_start3A_72 = arith.constant 0 : i32
      %dma_start3A_73 = tpu.memref_slice %arg12[%dma_start3A_71, %dma_start3A_72] : memref<10112x128xf32, #tpu.memory_space<vmem_shared>> -> memref<10112x128xf32, #tpu.memory_space<vmem_shared>>
      tpu.enqueue_indirect_dma source(%arg9 : memref<128x128xf32, #tpu.memory_space<vmem>>) target(%dma_start3A_73 : memref<10112x128xf32, #tpu.memory_space<vmem_shared>>) offsets(%dma_start3A_70 : memref<128xi32, #tpu.memory_space<vmem>>) semaphore(%run_scoped3A_67 : memref<!tpu.dma_semaphore, #tpu.memory_space<semaphore_mem>>) {add = true}
      %dma_wait3A_74 = arith.constant 0 : i32
      %dma_wait3A_75 = tpu.memref_slice %arg11[%run_scoped3A_65, %dma_wait3A_74] : memref<1x128xi32, #tpu.memory_space<vmem>> -> memref<1x128xi32, #tpu.memory_space<vmem>>
      %dma_wait3A_76 = tpu.memref_squeeze %dma_wait3A_75 : memref<1x128xi32, #tpu.memory_space<vmem>> -> memref<128xi32, #tpu.memory_space<vmem>>
      %dma_wait3A_77 = arith.constant 0 : i32
      %dma_wait3A_78 = arith.constant 0 : i32
      %dma_wait3A_79 = tpu.memref_slice %arg12[%dma_wait3A_77, %dma_wait3A_78] : memref<10112x128xf32, #tpu.memory_space<vmem_shared>> -> memref<10112x128xf32, #tpu.memory_space<vmem_shared>>
      tpu.wait_indirect_dma semaphore(%run_scoped3A_67 : memref<!tpu.dma_semaphore, #tpu.memory_space<semaphore_mem>>) src(%arg9 : memref<128x128xf32, #tpu.memory_space<vmem>>) dst(%dma_wait3A_79 : memref<10112x128xf32, #tpu.memory_space<vmem_shared>>)
      tpu.yield
    }) : () -> ()
    %barrier3A_66 = arith.constant 0 : index
    tpu.barrier barrier_id(%barrier3A_66)
    "tpu.region"() ({
      %run_scoped3A_67 = tpu.sem_alloc : memref<!tpu.dma_semaphore, #tpu.memory_space<semaphore_mem>>
      %dma_start3A_68 = arith.constant 0 : i32
      %dma_start3A_69 = tpu.memref_slice %arg6[%arg0, %mul3A_2, %dma_start3A_68] : memref<2x10112x128xf32, #tpu.memory_space<hbm>> -> memref<1x632x128xf32, #tpu.memory_space<hbm>>
      %dma_start3A_70 = tpu.memref_squeeze %dma_start3A_69 : memref<1x632x128xf32, #tpu.memory_space<hbm>> -> memref<632x128xf32, #tpu.memory_space<hbm>>
      %dma_start3A_71 = arith.constant 0 : i32
      %dma_start3A_72 = tpu.memref_slice %arg12[%mul3A_2, %dma_start3A_71] : memref<10112x128xf32, #tpu.memory_space<vmem_shared>> -> memref<632x128xf32, #tpu.memory_space<vmem_shared>>
      tpu.enqueue_dma source(%dma_start3A_72 : memref<632x128xf32, #tpu.memory_space<vmem_shared>>) target(%dma_start3A_70 : memref<632x128xf32, #tpu.memory_space<hbm>>) target_semaphore(%run_scoped3A_67 : memref<!tpu.dma_semaphore, #tpu.memory_space<semaphore_mem>>)
      %dma_wait3A_73 = arith.constant 0 : i32
      %dma_wait3A_74 = tpu.memref_slice %arg6[%arg0, %mul3A_2, %dma_wait3A_73] : memref<2x10112x128xf32, #tpu.memory_space<hbm>> -> memref<1x632x128xf32, #tpu.memory_space<hbm>>
      %dma_wait3A_75 = tpu.memref_squeeze %dma_wait3A_74 : memref<1x632x128xf32, #tpu.memory_space<hbm>> -> memref<632x128xf32, #tpu.memory_space<hbm>>
      %dma_wait3A_76 = arith.constant 0 : i32
      %dma_wait3A_77 = tpu.memref_slice %arg12[%mul3A_2, %dma_wait3A_76] : memref<10112x128xf32, #tpu.memory_space<vmem_shared>> -> memref<632x128xf32, #tpu.memory_space<vmem_shared>>
      tpu.wait_dma2 semaphore(%run_scoped3A_67 : memref<!tpu.dma_semaphore, #tpu.memory_space<semaphore_mem>>) src(%dma_wait3A_77 : memref<632x128xf32, #tpu.memory_space<vmem_shared>>) dst(%dma_wait3A_75 : memref<632x128xf32, #tpu.memory_space<hbm>>)
      tpu.yield
    }) : () -> ()
    return
  }
}

#map = affine_map<(d0, d1) -> (0, 0, 0)>
#map1 = affine_map<(d0, d1) -> (0, 0)>
module attributes {stable_mosaic.version = 14 : i64} {
  func.func @deg_k(%arg0: i32, %arg1: i32, %arg2: memref<32x80x128xi32, #tpu.memory_space<hbm>>, %arg3: memref<128x128xf32, #tpu.memory_space<hbm>>, %arg4: memref<10112x128xf32, #tpu.memory_space<hbm>>, %arg5: memref<2x10112x128xf32, #tpu.memory_space<hbm>>, %arg6: memref<80x128xi32, #tpu.memory_space<vmem>>, %arg7: memref<128x128xf32, #tpu.memory_space<vmem>>, %arg8: memref<10112x128xf32, #tpu.memory_space<vmem_shared>>) attributes {dimension_semantics = [#tpu.dimension_semantics<core_parallel>, #tpu.dimension_semantics<subcore_parallel>], iteration_bounds = array<i64: 2, 16>, scalar_prefetch = 0 : i64, scratch_operands = 3 : i64, tpu.core_type = #tpu.core_type<sc_vector_subcore>, window_params = [{transform_indices = #map}, {transform_indices = #map1}, {transform_indices = #map1}, {transform_indices = #map}]} {
    %mul3A = arith.constant 2 : i32
    %mul3A_0 = arith.muli %arg1, %mul3A : i32
    %add3A = arith.addi %mul3A_0, %arg0 : i32
    %mul3A_1 = arith.constant 632 : i32
    %mul3A_2 = arith.muli %arg1, %mul3A_1 : i32
    "tpu.region"() ({
      %run_scoped3A = tpu.sem_alloc : memref<!tpu.dma_semaphore, #tpu.memory_space<semaphore_mem>>
      %dma_start3A = arith.constant 0 : i32
      %dma_start3A_8 = tpu.memref_slice %arg8[%mul3A_2, %dma_start3A] : memref<10112x128xf32, #tpu.memory_space<vmem_shared>> -> memref<632x128xf32, #tpu.memory_space<vmem_shared>>
      %dma_start3A_9 = arith.constant 0 : i32
      %dma_start3A_10 = tpu.memref_slice %arg4[%mul3A_2, %dma_start3A_9] : memref<10112x128xf32, #tpu.memory_space<hbm>> -> memref<632x128xf32, #tpu.memory_space<hbm>>
      tpu.enqueue_dma source(%dma_start3A_10 : memref<632x128xf32, #tpu.memory_space<hbm>>) target(%dma_start3A_8 : memref<632x128xf32, #tpu.memory_space<vmem_shared>>) target_semaphore(%run_scoped3A : memref<!tpu.dma_semaphore, #tpu.memory_space<semaphore_mem>>)
      %dma_wait3A = arith.constant 0 : i32
      %dma_wait3A_11 = tpu.memref_slice %arg8[%mul3A_2, %dma_wait3A] : memref<10112x128xf32, #tpu.memory_space<vmem_shared>> -> memref<632x128xf32, #tpu.memory_space<vmem_shared>>
      %dma_wait3A_12 = arith.constant 0 : i32
      %dma_wait3A_13 = tpu.memref_slice %arg4[%mul3A_2, %dma_wait3A_12] : memref<10112x128xf32, #tpu.memory_space<hbm>> -> memref<632x128xf32, #tpu.memory_space<hbm>>
      tpu.wait_dma2 semaphore(%run_scoped3A : memref<!tpu.dma_semaphore, #tpu.memory_space<semaphore_mem>>) src(%dma_wait3A_13 : memref<632x128xf32, #tpu.memory_space<hbm>>) dst(%dma_wait3A_11 : memref<632x128xf32, #tpu.memory_space<vmem_shared>>)
      tpu.yield
    }) : () -> ()
    "tpu.region"() ({
      %run_scoped3A = tpu.sem_alloc : memref<!tpu.dma_semaphore, #tpu.memory_space<semaphore_mem>>
      %dma_start3A = arith.constant 0 : i32
      %dma_start3A_8 = arith.constant 0 : i32
      %dma_start3A_9 = tpu.memref_slice %arg2[%add3A, %dma_start3A, %dma_start3A_8] : memref<32x80x128xi32, #tpu.memory_space<hbm>> -> memref<1x80x128xi32, #tpu.memory_space<hbm>>
      %dma_start3A_10 = tpu.memref_squeeze %dma_start3A_9 : memref<1x80x128xi32, #tpu.memory_space<hbm>> -> memref<80x128xi32, #tpu.memory_space<hbm>>
      %dma_start3A_11 = arith.constant 0 : i32
      %dma_start3A_12 = arith.constant 0 : i32
      %dma_start3A_13 = tpu.memref_slice %arg2[%add3A, %dma_start3A_11, %dma_start3A_12] : memref<32x80x128xi32, #tpu.memory_space<hbm>> -> memref<1x80x128xi32, #tpu.memory_space<hbm>>
      %dma_start3A_14 = tpu.memref_squeeze %dma_start3A_13 : memref<1x80x128xi32, #tpu.memory_space<hbm>> -> memref<80x128xi32, #tpu.memory_space<hbm>>
      tpu.enqueue_dma source(%dma_start3A_14 : memref<80x128xi32, #tpu.memory_space<hbm>>) target(%arg6 : memref<80x128xi32, #tpu.memory_space<vmem>>) target_semaphore(%run_scoped3A : memref<!tpu.dma_semaphore, #tpu.memory_space<semaphore_mem>>)
      %dma_wait3A = arith.constant 0 : i32
      %dma_wait3A_15 = arith.constant 0 : i32
      %dma_wait3A_16 = tpu.memref_slice %arg2[%add3A, %dma_wait3A, %dma_wait3A_15] : memref<32x80x128xi32, #tpu.memory_space<hbm>> -> memref<1x80x128xi32, #tpu.memory_space<hbm>>
      %dma_wait3A_17 = tpu.memref_squeeze %dma_wait3A_16 : memref<1x80x128xi32, #tpu.memory_space<hbm>> -> memref<80x128xi32, #tpu.memory_space<hbm>>
      %dma_wait3A_18 = arith.constant 0 : i32
      %dma_wait3A_19 = arith.constant 0 : i32
      %dma_wait3A_20 = tpu.memref_slice %arg2[%add3A, %dma_wait3A_18, %dma_wait3A_19] : memref<32x80x128xi32, #tpu.memory_space<hbm>> -> memref<1x80x128xi32, #tpu.memory_space<hbm>>
      %dma_wait3A_21 = tpu.memref_squeeze %dma_wait3A_20 : memref<1x80x128xi32, #tpu.memory_space<hbm>> -> memref<80x128xi32, #tpu.memory_space<hbm>>
      tpu.wait_dma2 semaphore(%run_scoped3A : memref<!tpu.dma_semaphore, #tpu.memory_space<semaphore_mem>>) src(%dma_wait3A_21 : memref<80x128xi32, #tpu.memory_space<hbm>>) dst(%arg6 : memref<80x128xi32, #tpu.memory_space<vmem>>)
      tpu.yield
    }) : () -> ()
    "tpu.region"() ({
      %run_scoped3A = tpu.sem_alloc : memref<!tpu.dma_semaphore, #tpu.memory_space<semaphore_mem>>
      tpu.enqueue_dma source(%arg3 : memref<128x128xf32, #tpu.memory_space<hbm>>) target(%arg7 : memref<128x128xf32, #tpu.memory_space<vmem>>) target_semaphore(%run_scoped3A : memref<!tpu.dma_semaphore, #tpu.memory_space<semaphore_mem>>)
      tpu.wait_dma2 semaphore(%run_scoped3A : memref<!tpu.dma_semaphore, #tpu.memory_space<semaphore_mem>>) src(%arg3 : memref<128x128xf32, #tpu.memory_space<hbm>>) dst(%arg7 : memref<128x128xf32, #tpu.memory_space<vmem>>)
      tpu.yield
    }) : () -> ()
    %barrier3A = arith.constant 0 : index
    tpu.barrier barrier_id(%barrier3A)
    %scan3A = arith.constant 0 : i32
    %scan3A_3 = arith.constant 80 : i32
    %scan3A_4 = arith.addi %scan3A, %scan3A_3 : i32
    %scan3A_5 = arith.constant 1 : i32
    scf.for %scan3A_8 = %scan3A to %scan3A_4 step %scan3A_5  : i32 {
      %mul3A_9 = arith.constant 1 : i32
      %mul3A_10 = arith.muli %scan3A_8, %mul3A_9 : i32
      %add3A_11 = arith.constant 0 : i32
      %add3A_12 = arith.addi %add3A_11, %mul3A_10 : i32
      "tpu.region"() ({
        %run_scoped3A = tpu.sem_alloc : memref<!tpu.dma_semaphore, #tpu.memory_space<semaphore_mem>>
        %dma_start3A = arith.constant 0 : i32
        %dma_start3A_13 = tpu.memref_slice %arg6[%add3A_12, %dma_start3A] : memref<80x128xi32, #tpu.memory_space<vmem>> -> memref<1x128xi32, #tpu.memory_space<vmem>>
        %dma_start3A_14 = tpu.memref_squeeze %dma_start3A_13 : memref<1x128xi32, #tpu.memory_space<vmem>> -> memref<128xi32, #tpu.memory_space<vmem>>
        %dma_start3A_15 = arith.constant 0 : i32
        %dma_start3A_16 = arith.constant 0 : i32
        %dma_start3A_17 = tpu.memref_slice %arg8[%dma_start3A_15, %dma_start3A_16] : memref<10112x128xf32, #tpu.memory_space<vmem_shared>> -> memref<10112x128xf32, #tpu.memory_space<vmem_shared>>
        tpu.enqueue_indirect_dma source(%arg7 : memref<128x128xf32, #tpu.memory_space<vmem>>) target(%dma_start3A_17 : memref<10112x128xf32, #tpu.memory_space<vmem_shared>>) offsets(%dma_start3A_14 : memref<128xi32, #tpu.memory_space<vmem>>) semaphore(%run_scoped3A : memref<!tpu.dma_semaphore, #tpu.memory_space<semaphore_mem>>) {add = true}
        %dma_wait3A = arith.constant 0 : i32
        %dma_wait3A_18 = tpu.memref_slice %arg6[%add3A_12, %dma_wait3A] : memref<80x128xi32, #tpu.memory_space<vmem>> -> memref<1x128xi32, #tpu.memory_space<vmem>>
        %dma_wait3A_19 = tpu.memref_squeeze %dma_wait3A_18 : memref<1x128xi32, #tpu.memory_space<vmem>> -> memref<128xi32, #tpu.memory_space<vmem>>
        %dma_wait3A_20 = arith.constant 0 : i32
        %dma_wait3A_21 = arith.constant 0 : i32
        %dma_wait3A_22 = tpu.memref_slice %arg8[%dma_wait3A_20, %dma_wait3A_21] : memref<10112x128xf32, #tpu.memory_space<vmem_shared>> -> memref<10112x128xf32, #tpu.memory_space<vmem_shared>>
        tpu.wait_indirect_dma semaphore(%run_scoped3A : memref<!tpu.dma_semaphore, #tpu.memory_space<semaphore_mem>>) src(%arg7 : memref<128x128xf32, #tpu.memory_space<vmem>>) dst(%dma_wait3A_22 : memref<10112x128xf32, #tpu.memory_space<vmem_shared>>)
        tpu.yield
      }) : () -> ()
    }
    %scan3A_6 = arith.constant 80 : i32
    %barrier3A_7 = arith.constant 0 : index
    tpu.barrier barrier_id(%barrier3A_7)
    "tpu.region"() ({
      %run_scoped3A = tpu.sem_alloc : memref<!tpu.dma_semaphore, #tpu.memory_space<semaphore_mem>>
      %dma_start3A = arith.constant 0 : i32
      %dma_start3A_8 = tpu.memref_slice %arg5[%arg0, %mul3A_2, %dma_start3A] : memref<2x10112x128xf32, #tpu.memory_space<hbm>> -> memref<1x632x128xf32, #tpu.memory_space<hbm>>
      %dma_start3A_9 = tpu.memref_squeeze %dma_start3A_8 : memref<1x632x128xf32, #tpu.memory_space<hbm>> -> memref<632x128xf32, #tpu.memory_space<hbm>>
      %dma_start3A_10 = arith.constant 0 : i32
      %dma_start3A_11 = tpu.memref_slice %arg8[%mul3A_2, %dma_start3A_10] : memref<10112x128xf32, #tpu.memory_space<vmem_shared>> -> memref<632x128xf32, #tpu.memory_space<vmem_shared>>
      tpu.enqueue_dma source(%dma_start3A_11 : memref<632x128xf32, #tpu.memory_space<vmem_shared>>) target(%dma_start3A_9 : memref<632x128xf32, #tpu.memory_space<hbm>>) target_semaphore(%run_scoped3A : memref<!tpu.dma_semaphore, #tpu.memory_space<semaphore_mem>>)
      %dma_wait3A = arith.constant 0 : i32
      %dma_wait3A_12 = tpu.memref_slice %arg5[%arg0, %mul3A_2, %dma_wait3A] : memref<2x10112x128xf32, #tpu.memory_space<hbm>> -> memref<1x632x128xf32, #tpu.memory_space<hbm>>
      %dma_wait3A_13 = tpu.memref_squeeze %dma_wait3A_12 : memref<1x632x128xf32, #tpu.memory_space<hbm>> -> memref<632x128xf32, #tpu.memory_space<hbm>>
      %dma_wait3A_14 = arith.constant 0 : i32
      %dma_wait3A_15 = tpu.memref_slice %arg8[%mul3A_2, %dma_wait3A_14] : memref<10112x128xf32, #tpu.memory_space<vmem_shared>> -> memref<632x128xf32, #tpu.memory_space<vmem_shared>>
      tpu.wait_dma2 semaphore(%run_scoped3A : memref<!tpu.dma_semaphore, #tpu.memory_space<semaphore_mem>>) src(%dma_wait3A_15 : memref<632x128xf32, #tpu.memory_space<vmem_shared>>) dst(%dma_wait3A_13 : memref<632x128xf32, #tpu.memory_space<hbm>>)
      tpu.yield
    }) : () -> ()
    return
  }
}

module attributes {stable_mosaic.version = 14 : i64} {
  func.func @_tc_scale_body(%arg0: i32, %arg1: memref<5000x128xf32, #tpu.memory_space<vmem>>, %arg2: memref<128x128xf32, #tpu.memory_space<vmem>>, %arg3: memref<5000x128xf32, #tpu.memory_space<vmem>>, %arg4: memref<5000x128xf32, #tpu.memory_space<vmem>>, %arg5: memref<5000x128xf32, #tpu.memory_space<vmem>>) attributes {dimension_semantics = [#tpu.dimension_semantics<arbitrary>], iteration_bounds = array<i64: 2>, scalar_prefetch = 0 : i64, scratch_operands = 0 : i64, tpu.core_type = #tpu.core_type<tc>, window_params = [{transform_indices = @transform_0, window_bounds = array<i64: 5000, 128>}, {pipeline_mode = #tpu.pipeline_mode<synchronous>, transform_indices = @transform_1, window_bounds = array<i64: 128, 128>}, {transform_indices = @transform_2, window_bounds = array<i64: 5000, 128>}, {transform_indices = @transform_3, window_bounds = array<i64: 5000, 128>}, {transform_indices = @transform_4, window_bounds = array<i64: 5000, 128>}]} {
    %get3A = arith.constant 0 : index
    %get3A_0 = arith.constant 0 : index
    %get3A_1 = vector.load %arg1[%get3A, %get3A_0] : memref<5000x128xf32, #tpu.memory_space<vmem>>, vector<5000x128xf32>
    %get3A_2 = arith.constant 0 : index
    %get3A_3 = arith.constant 0 : index
    %get3A_4 = vector.load %arg2[%get3A_2, %get3A_3] : memref<128x128xf32, #tpu.memory_space<vmem>>, vector<128x128xf32>
    %dot_general3A = arith.constant dense<0.000000e+00> : vector<5000x128xf32>
    %dot_general3A_5 = tpu.matmul %get3A_1, %get3A_4, %dot_general3A {dimension_numbers = #tpu.dot_dimension_numbers<[1], [0], [0], [1], [0, 0, 1, 1], [], []>, transpose_lhs_hint = false} : vector<5000x128xf32>, vector<128x128xf32>, vector<5000x128xf32> -> vector<5000x128xf32>
    %get3A_6 = arith.constant 0 : index
    %get3A_7 = arith.constant 0 : index
    %get3A_8 = vector.load %arg3[%get3A_6, %get3A_7] : memref<5000x128xf32, #tpu.memory_space<vmem>>, vector<5000x1xf32>
    %get3A_9 = arith.constant 0 : index
    %get3A_10 = arith.constant 0 : index
    %get3A_11 = vector.load %arg4[%get3A_9, %get3A_10] : memref<5000x128xf32, #tpu.memory_space<vmem>>, vector<5000x1xf32>
    %add3A = arith.addf %get3A_8, %get3A_11 : vector<5000x1xf32>
    %add3A_12 = arith.constant 1.000000e+00 : f32
    %add3A_13 = vector.broadcast %add3A_12 : f32 to vector<5000x1xf32>
    %add3A_14 = arith.addf %add3A, %add3A_13 : vector<5000x1xf32>
    %rsqrt3A = math.rsqrt %add3A_14 : vector<5000x1xf32>
    %mul3A = vector.broadcast %rsqrt3A : vector<5000x1xf32> to vector<5000x128xf32>
    %mul3A_15 = arith.mulf %dot_general3A_5, %mul3A : vector<5000x128xf32>
    %swap3A = arith.constant 0 : index
    %swap3A_16 = arith.constant 0 : index
    %swap3A_17 = vector.load %arg5[%swap3A, %swap3A_16] : memref<5000x128xf32, #tpu.memory_space<vmem>>, vector<5000x128xf32>
    tpu.vector_store %arg5[%swap3A, %swap3A_16], %mul3A_15 {strides = array<i32>} : memref<5000x128xf32, #tpu.memory_space<vmem>>, vector<5000x128xf32>,
    return
  }
  func.func @transform_0(%arg0: i32) -> (i32, i32) {
    %c0_i32 = arith.constant 0 : i32
    %c0_i32_0 = arith.constant 0 : i32
    return %arg0, %c0_i32 : i32, i32
  }
  func.func @transform_1(%arg0: i32) -> (i32, i32) {
    %c0_i32 = arith.constant 0 : i32
    %c0_i32_0 = arith.constant 0 : i32
    %c0_i32_1 = arith.constant 0 : i32
    return %c0_i32, %c0_i32_0 : i32, i32
  }
  func.func @transform_2(%arg0: i32) -> (i32, i32) {
    %c0_i32 = arith.constant 0 : i32
    %c0_i32_0 = arith.constant 0 : i32
    return %arg0, %c0_i32 : i32, i32
  }
  func.func @transform_3(%arg0: i32) -> (i32, i32) {
    %c0_i32 = arith.constant 0 : i32
    %c0_i32_0 = arith.constant 0 : i32
    return %arg0, %c0_i32 : i32, i32
  }
  func.func @transform_4(%arg0: i32) -> (i32, i32) {
    %c0_i32 = arith.constant 0 : i32
    %c0_i32_0 = arith.constant 0 : i32
    return %arg0, %c0_i32 : i32, i32
  }
}

module attributes {stable_mosaic.version = 14 : i64} {
  func.func @_tc_mid_body(%arg0: i32, %arg1: memref<5000x128xf32, #tpu.memory_space<vmem>>, %arg2: memref<5000x128xf32, #tpu.memory_space<vmem>>, %arg3: memref<5000x128xf32, #tpu.memory_space<vmem>>, %arg4: memref<5000x128xf32, #tpu.memory_space<vmem>>, %arg5: memref<5000x128xf32, #tpu.memory_space<vmem>>, %arg6: memref<1x128xf32, #tpu.memory_space<vmem>>, %arg7: memref<1x128xf32, #tpu.memory_space<vmem>>, %arg8: memref<1x128xf32, #tpu.memory_space<vmem>>, %arg9: memref<128x128xf32, #tpu.memory_space<vmem>>, %arg10: memref<5000x128xf32, #tpu.memory_space<vmem>>) attributes {dimension_semantics = [#tpu.dimension_semantics<arbitrary>], iteration_bounds = array<i64: 2>, scalar_prefetch = 0 : i64, scratch_operands = 0 : i64, tpu.core_type = #tpu.core_type<tc>, window_params = [{transform_indices = @transform_0, window_bounds = array<i64: 5000, 128>}, {transform_indices = @transform_1, window_bounds = array<i64: 5000, 128>}, {transform_indices = @transform_2, window_bounds = array<i64: 5000, 128>}, {transform_indices = @transform_3, window_bounds = array<i64: 5000, 128>}, {transform_indices = @transform_4, window_bounds = array<i64: 5000, 128>}, {pipeline_mode = #tpu.pipeline_mode<synchronous>, transform_indices = @transform_5, window_bounds = array<i64: 1, 128>}, {pipeline_mode = #tpu.pipeline_mode<synchronous>, transform_indices = @transform_6, window_bounds = array<i64: 1, 128>}, {pipeline_mode = #tpu.pipeline_mode<synchronous>, transform_indices = @transform_7, window_bounds = array<i64: 1, 128>}, {pipeline_mode = #tpu.pipeline_mode<synchronous>, transform_indices = @transform_8, window_bounds = array<i64: 128, 128>}, {transform_indices = @transform_9, window_bounds = array<i64: 5000, 128>}]} {
    %get3A = arith.constant 0 : index
    %get3A_0 = arith.constant 0 : index
    %get3A_1 = vector.load %arg4[%get3A, %get3A_0] : memref<5000x128xf32, #tpu.memory_space<vmem>>, vector<5000x1xf32>
    %get3A_2 = arith.constant 0 : index
    %get3A_3 = arith.constant 0 : index
    %get3A_4 = vector.load %arg5[%get3A_2, %get3A_3] : memref<5000x128xf32, #tpu.memory_space<vmem>>, vector<5000x1xf32>
    %add3A = arith.addf %get3A_1, %get3A_4 : vector<5000x1xf32>
    %add3A_5 = arith.constant 1.000000e+00 : f32
    %add3A_6 = vector.broadcast %add3A_5 : f32 to vector<5000x1xf32>
    %add3A_7 = arith.addf %add3A, %add3A_6 : vector<5000x1xf32>
    %rsqrt3A = math.rsqrt %add3A_7 : vector<5000x1xf32>
    %get3A_8 = arith.constant 0 : index
    %get3A_9 = arith.constant 0 : index
    %get3A_10 = vector.load %arg1[%get3A_8, %get3A_9] : memref<5000x128xf32, #tpu.memory_space<vmem>>, vector<5000x128xf32>
    %get3A_11 = arith.constant 0 : index
    %get3A_12 = arith.constant 0 : index
    %get3A_13 = vector.load %arg2[%get3A_11, %get3A_12] : memref<5000x128xf32, #tpu.memory_space<vmem>>, vector<5000x128xf32>
    %add3A_14 = arith.addf %get3A_10, %get3A_13 : vector<5000x128xf32>
    %get3A_15 = arith.constant 0 : index
    %get3A_16 = arith.constant 0 : index
    %get3A_17 = vector.load %arg3[%get3A_15, %get3A_16] : memref<5000x128xf32, #tpu.memory_space<vmem>>, vector<5000x128xf32>
    %add3A_18 = arith.addf %add3A_14, %get3A_17 : vector<5000x128xf32>
    %mul3A = vector.broadcast %rsqrt3A : vector<5000x1xf32> to vector<5000x128xf32>
    %mul3A_19 = arith.mulf %add3A_18, %mul3A : vector<5000x128xf32>
    %get3A_20 = arith.constant 0 : index
    %get3A_21 = arith.constant 0 : index
    %get3A_22 = vector.load %arg6[%get3A_20, %get3A_21] : memref<1x128xf32, #tpu.memory_space<vmem>>, vector<1x128xf32>
    %add3A_23 = vector.broadcast %get3A_22 : vector<1x128xf32> to vector<5000x128xf32>
    %add3A_24 = arith.addf %mul3A_19, %add3A_23 : vector<5000x128xf32>
    %reduce_sum3A = arith.constant dense<0.000000e+00> : vector<5000xf32>
    %reduce_sum3A_25 = vector.multi_reduction <add>, %add3A_24, %reduce_sum3A [1] : vector<5000x128xf32> to vector<5000xf32>
    %broadcast_in_dim3A = vector.shape_cast %reduce_sum3A_25 : vector<5000xf32> to vector<5000x1xf32>
    %div3A = arith.constant 1.280000e+02 : f32
    %div3A_26 = vector.broadcast %div3A : f32 to vector<5000x1xf32>
    %div3A_27 = arith.divf %broadcast_in_dim3A, %div3A_26 : vector<5000x1xf32>
    %sub3A = vector.broadcast %div3A_27 : vector<5000x1xf32> to vector<5000x128xf32>
    %sub3A_28 = arith.subf %add3A_24, %sub3A : vector<5000x128xf32>
    %integer_pow3A = arith.mulf %sub3A_28, %sub3A_28 : vector<5000x128xf32>
    %reduce_sum3A_29 = arith.constant dense<0.000000e+00> : vector<5000xf32>
    %reduce_sum3A_30 = vector.multi_reduction <add>, %integer_pow3A, %reduce_sum3A_29 [1] : vector<5000x128xf32> to vector<5000xf32>
    %broadcast_in_dim3A_31 = vector.shape_cast %reduce_sum3A_30 : vector<5000xf32> to vector<5000x1xf32>
    %div3A_32 = arith.constant 1.280000e+02 : f32
    %div3A_33 = vector.broadcast %div3A_32 : f32 to vector<5000x1xf32>
    %div3A_34 = arith.divf %broadcast_in_dim3A_31, %div3A_33 : vector<5000x1xf32>
    %sub3A_35 = vector.broadcast %div3A_27 : vector<5000x1xf32> to vector<5000x128xf32>
    %sub3A_36 = arith.subf %add3A_24, %sub3A_35 : vector<5000x128xf32>
    %add3A_37 = arith.constant 9.99999974E-6 : f32
    %add3A_38 = vector.broadcast %add3A_37 : f32 to vector<5000x1xf32>
    %add3A_39 = arith.addf %div3A_34, %add3A_38 : vector<5000x1xf32>
    %rsqrt3A_40 = math.rsqrt %add3A_39 : vector<5000x1xf32>
    %mul3A_41 = vector.broadcast %rsqrt3A_40 : vector<5000x1xf32> to vector<5000x128xf32>
    %mul3A_42 = arith.mulf %sub3A_36, %mul3A_41 : vector<5000x128xf32>
    %get3A_43 = arith.constant 0 : index
    %get3A_44 = arith.constant 0 : index
    %get3A_45 = vector.load %arg7[%get3A_43, %get3A_44] : memref<1x128xf32, #tpu.memory_space<vmem>>, vector<1x128xf32>
    %mul3A_46 = vector.broadcast %get3A_45 : vector<1x128xf32> to vector<5000x128xf32>
    %mul3A_47 = arith.mulf %mul3A_42, %mul3A_46 : vector<5000x128xf32>
    %get3A_48 = arith.constant 0 : index
    %get3A_49 = arith.constant 0 : index
    %get3A_50 = vector.load %arg8[%get3A_48, %get3A_49] : memref<1x128xf32, #tpu.memory_space<vmem>>, vector<1x128xf32>
    %add3A_51 = vector.broadcast %get3A_50 : vector<1x128xf32> to vector<5000x128xf32>
    %add3A_52 = arith.addf %mul3A_47, %add3A_51 : vector<5000x128xf32>
    %max3A = arith.constant 0.000000e+00 : f32
    %max3A_53 = vector.broadcast %max3A : f32 to vector<5000x128xf32>
    %max3A_54 = arith.maximumf %add3A_52, %max3A_53 : vector<5000x128xf32>
    %get3A_55 = arith.constant 0 : index
    %get3A_56 = arith.constant 0 : index
    %get3A_57 = vector.load %arg9[%get3A_55, %get3A_56] : memref<128x128xf32, #tpu.memory_space<vmem>>, vector<128x128xf32>
    %dot_general3A = arith.constant dense<0.000000e+00> : vector<5000x128xf32>
    %dot_general3A_58 = tpu.matmul %max3A_54, %get3A_57, %dot_general3A {dimension_numbers = #tpu.dot_dimension_numbers<[1], [0], [0], [1], [0, 0, 1, 1], [], []>, transpose_lhs_hint = false} : vector<5000x128xf32>, vector<128x128xf32>, vector<5000x128xf32> -> vector<5000x128xf32>
    %mul3A_59 = vector.broadcast %rsqrt3A : vector<5000x1xf32> to vector<5000x128xf32>
    %mul3A_60 = arith.mulf %dot_general3A_58, %mul3A_59 : vector<5000x128xf32>
    %swap3A = arith.constant 0 : index
    %swap3A_61 = arith.constant 0 : index
    %swap3A_62 = vector.load %arg10[%swap3A, %swap3A_61] : memref<5000x128xf32, #tpu.memory_space<vmem>>, vector<5000x128xf32>
    tpu.vector_store %arg10[%swap3A, %swap3A_61], %mul3A_60 {strides = array<i32>} : memref<5000x128xf32, #tpu.memory_space<vmem>>, vector<5000x128xf32>,
    return
  }
  func.func @transform_0(%arg0: i32) -> (i32, i32) {
    %c0_i32 = arith.constant 0 : i32
    %c0_i32_0 = arith.constant 0 : i32
    return %arg0, %c0_i32 : i32, i32
  }
  func.func @transform_1(%arg0: i32) -> (i32, i32) {
    %c0_i32 = arith.constant 0 : i32
    %c0_i32_0 = arith.constant 0 : i32
    return %arg0, %c0_i32 : i32, i32
  }
  func.func @transform_2(%arg0: i32) -> (i32, i32) {
    %c0_i32 = arith.constant 0 : i32
    %c0_i32_0 = arith.constant 0 : i32
    return %arg0, %c0_i32 : i32, i32
  }
  func.func @transform_3(%arg0: i32) -> (i32, i32) {
    %c0_i32 = arith.constant 0 : i32
    %c0_i32_0 = arith.constant 0 : i32
    return %arg0, %c0_i32 : i32, i32
  }
  func.func @transform_4(%arg0: i32) -> (i32, i32) {
    %c0_i32 = arith.constant 0 : i32
    %c0_i32_0 = arith.constant 0 : i32
    return %arg0, %c0_i32 : i32, i32
  }
  func.func @transform_5(%arg0: i32) -> (i32, i32) {
    %c0_i32 = arith.constant 0 : i32
    %c0_i32_0 = arith.constant 0 : i32
    %c0_i32_1 = arith.constant 0 : i32
    return %c0_i32, %c0_i32_0 : i32, i32
  }
  func.func @transform_6(%arg0: i32) -> (i32, i32) {
    %c0_i32 = arith.constant 0 : i32
    %c0_i32_0 = arith.constant 0 : i32
    %c0_i32_1 = arith.constant 0 : i32
    return %c0_i32, %c0_i32_0 : i32, i32
  }
  func.func @transform_7(%arg0: i32) -> (i32, i32) {
    %c0_i32 = arith.constant 0 : i32
    %c0_i32_0 = arith.constant 0 : i32
    %c0_i32_1 = arith.constant 0 : i32
    return %c0_i32, %c0_i32_0 : i32, i32
  }
  func.func @transform_8(%arg0: i32) -> (i32, i32) {
    %c0_i32 = arith.constant 0 : i32
    %c0_i32_0 = arith.constant 0 : i32
    %c0_i32_1 = arith.constant 0 : i32
    return %c0_i32, %c0_i32_0 : i32, i32
  }
  func.func @transform_9(%arg0: i32) -> (i32, i32) {
    %c0_i32 = arith.constant 0 : i32
    %c0_i32_0 = arith.constant 0 : i32
    return %arg0, %c0_i32 : i32, i32
  }
}

module attributes {stable_mosaic.version = 14 : i64} {
  func.func @_tc_head_body(%arg0: i32, %arg1: memref<5000x128xf32, #tpu.memory_space<vmem>>, %arg2: memref<5000x128xf32, #tpu.memory_space<vmem>>, %arg3: memref<5000x128xf32, #tpu.memory_space<vmem>>, %arg4: memref<5000x128xf32, #tpu.memory_space<vmem>>, %arg5: memref<5000x128xf32, #tpu.memory_space<vmem>>, %arg6: memref<5000x128xf32, #tpu.memory_space<vmem>>, %arg7: memref<1x128xf32, #tpu.memory_space<vmem>>, %arg8: memref<1x128xf32, #tpu.memory_space<vmem>>, %arg9: memref<1x128xf32, #tpu.memory_space<vmem>>, %arg10: memref<128x128xf32, #tpu.memory_space<vmem>>, %arg11: memref<128x128xf32, #tpu.memory_space<vmem>>, %arg12: memref<1x128xf32, #tpu.memory_space<vmem>>, %arg13: memref<128x128xf32, #tpu.memory_space<vmem>>, %arg14: memref<1x128xf32, #tpu.memory_space<vmem>>, %arg15: memref<5000x128xf32, #tpu.memory_space<vmem>>) attributes {dimension_semantics = [#tpu.dimension_semantics<arbitrary>], iteration_bounds = array<i64: 2>, scalar_prefetch = 0 : i64, scratch_operands = 0 : i64, tpu.core_type = #tpu.core_type<tc>, window_params = [{transform_indices = @transform_0, window_bounds = array<i64: 5000, 128>}, {transform_indices = @transform_1, window_bounds = array<i64: 5000, 128>}, {transform_indices = @transform_2, window_bounds = array<i64: 5000, 128>}, {transform_indices = @transform_3, window_bounds = array<i64: 5000, 128>}, {transform_indices = @transform_4, window_bounds = array<i64: 5000, 128>}, {transform_indices = @transform_5, window_bounds = array<i64: 5000, 128>}, {pipeline_mode = #tpu.pipeline_mode<synchronous>, transform_indices = @transform_6, window_bounds = array<i64: 1, 128>}, {pipeline_mode = #tpu.pipeline_mode<synchronous>, transform_indices = @transform_7, window_bounds = array<i64: 1, 128>}, {pipeline_mode = #tpu.pipeline_mode<synchronous>, transform_indices = @transform_8, window_bounds = array<i64: 1, 128>}, {pipeline_mode = #tpu.pipeline_mode<synchronous>, transform_indices = @transform_9, window_bounds = array<i64: 128, 128>}, {pipeline_mode = #tpu.pipeline_mode<synchronous>, transform_indices = @transform_10, window_bounds = array<i64: 128, 128>}, {pipeline_mode = #tpu.pipeline_mode<synchronous>, transform_indices = @transform_11, window_bounds = array<i64: 1, 128>}, {pipeline_mode = #tpu.pipeline_mode<synchronous>, transform_indices = @transform_12, window_bounds = array<i64: 128, 128>}, {pipeline_mode = #tpu.pipeline_mode<synchronous>, transform_indices = @transform_13, window_bounds = array<i64: 1, 128>}, {transform_indices = @transform_14, window_bounds = array<i64: 5000, 128>}]} {
    %get3A = arith.constant 0 : index
    %get3A_0 = arith.constant 0 : index
    %get3A_1 = vector.load %arg4[%get3A, %get3A_0] : memref<5000x128xf32, #tpu.memory_space<vmem>>, vector<5000x1xf32>
    %get3A_2 = arith.constant 0 : index
    %get3A_3 = arith.constant 0 : index
    %get3A_4 = vector.load %arg5[%get3A_2, %get3A_3] : memref<5000x128xf32, #tpu.memory_space<vmem>>, vector<5000x1xf32>
    %add3A = arith.addf %get3A_1, %get3A_4 : vector<5000x1xf32>
    %add3A_5 = arith.constant 1.000000e+00 : f32
    %add3A_6 = vector.broadcast %add3A_5 : f32 to vector<5000x1xf32>
    %add3A_7 = arith.addf %add3A, %add3A_6 : vector<5000x1xf32>
    %rsqrt3A = math.rsqrt %add3A_7 : vector<5000x1xf32>
    %get3A_8 = arith.constant 0 : index
    %get3A_9 = arith.constant 0 : index
    %get3A_10 = vector.load %arg1[%get3A_8, %get3A_9] : memref<5000x128xf32, #tpu.memory_space<vmem>>, vector<5000x128xf32>
    %get3A_11 = arith.constant 0 : index
    %get3A_12 = arith.constant 0 : index
    %get3A_13 = vector.load %arg2[%get3A_11, %get3A_12] : memref<5000x128xf32, #tpu.memory_space<vmem>>, vector<5000x128xf32>
    %add3A_14 = arith.addf %get3A_10, %get3A_13 : vector<5000x128xf32>
    %get3A_15 = arith.constant 0 : index
    %get3A_16 = arith.constant 0 : index
    %get3A_17 = vector.load %arg3[%get3A_15, %get3A_16] : memref<5000x128xf32, #tpu.memory_space<vmem>>, vector<5000x128xf32>
    %add3A_18 = arith.addf %add3A_14, %get3A_17 : vector<5000x128xf32>
    %mul3A = vector.broadcast %rsqrt3A : vector<5000x1xf32> to vector<5000x128xf32>
    %mul3A_19 = arith.mulf %add3A_18, %mul3A : vector<5000x128xf32>
    %get3A_20 = arith.constant 0 : index
    %get3A_21 = arith.constant 0 : index
    %get3A_22 = vector.load %arg7[%get3A_20, %get3A_21] : memref<1x128xf32, #tpu.memory_space<vmem>>, vector<1x128xf32>
    %add3A_23 = vector.broadcast %get3A_22 : vector<1x128xf32> to vector<5000x128xf32>
    %add3A_24 = arith.addf %mul3A_19, %add3A_23 : vector<5000x128xf32>
    %reduce_sum3A = arith.constant dense<0.000000e+00> : vector<5000xf32>
    %reduce_sum3A_25 = vector.multi_reduction <add>, %add3A_24, %reduce_sum3A [1] : vector<5000x128xf32> to vector<5000xf32>
    %broadcast_in_dim3A = vector.shape_cast %reduce_sum3A_25 : vector<5000xf32> to vector<5000x1xf32>
    %div3A = arith.constant 1.280000e+02 : f32
    %div3A_26 = vector.broadcast %div3A : f32 to vector<5000x1xf32>
    %div3A_27 = arith.divf %broadcast_in_dim3A, %div3A_26 : vector<5000x1xf32>
    %sub3A = vector.broadcast %div3A_27 : vector<5000x1xf32> to vector<5000x128xf32>
    %sub3A_28 = arith.subf %add3A_24, %sub3A : vector<5000x128xf32>
    %integer_pow3A = arith.mulf %sub3A_28, %sub3A_28 : vector<5000x128xf32>
    %reduce_sum3A_29 = arith.constant dense<0.000000e+00> : vector<5000xf32>
    %reduce_sum3A_30 = vector.multi_reduction <add>, %integer_pow3A, %reduce_sum3A_29 [1] : vector<5000x128xf32> to vector<5000xf32>
    %broadcast_in_dim3A_31 = vector.shape_cast %reduce_sum3A_30 : vector<5000xf32> to vector<5000x1xf32>
    %div3A_32 = arith.constant 1.280000e+02 : f32
    %div3A_33 = vector.broadcast %div3A_32 : f32 to vector<5000x1xf32>
    %div3A_34 = arith.divf %broadcast_in_dim3A_31, %div3A_33 : vector<5000x1xf32>
    %sub3A_35 = vector.broadcast %div3A_27 : vector<5000x1xf32> to vector<5000x128xf32>
    %sub3A_36 = arith.subf %add3A_24, %sub3A_35 : vector<5000x128xf32>
    %add3A_37 = arith.constant 9.99999974E-6 : f32
    %add3A_38 = vector.broadcast %add3A_37 : f32 to vector<5000x1xf32>
    %add3A_39 = arith.addf %div3A_34, %add3A_38 : vector<5000x1xf32>
    %rsqrt3A_40 = math.rsqrt %add3A_39 : vector<5000x1xf32>
    %mul3A_41 = vector.broadcast %rsqrt3A_40 : vector<5000x1xf32> to vector<5000x128xf32>
    %mul3A_42 = arith.mulf %sub3A_36, %mul3A_41 : vector<5000x128xf32>
    %get3A_43 = arith.constant 0 : index
    %get3A_44 = arith.constant 0 : index
    %get3A_45 = vector.load %arg8[%get3A_43, %get3A_44] : memref<1x128xf32, #tpu.memory_space<vmem>>, vector<1x128xf32>
    %mul3A_46 = vector.broadcast %get3A_45 : vector<1x128xf32> to vector<5000x128xf32>
    %mul3A_47 = arith.mulf %mul3A_42, %mul3A_46 : vector<5000x128xf32>
    %get3A_48 = arith.constant 0 : index
    %get3A_49 = arith.constant 0 : index
    %get3A_50 = vector.load %arg9[%get3A_48, %get3A_49] : memref<1x128xf32, #tpu.memory_space<vmem>>, vector<1x128xf32>
    %add3A_51 = vector.broadcast %get3A_50 : vector<1x128xf32> to vector<5000x128xf32>
    %add3A_52 = arith.addf %mul3A_47, %add3A_51 : vector<5000x128xf32>
    %max3A = arith.constant 0.000000e+00 : f32
    %max3A_53 = vector.broadcast %max3A : f32 to vector<5000x128xf32>
    %max3A_54 = arith.maximumf %add3A_52, %max3A_53 : vector<5000x128xf32>
    %get3A_55 = arith.constant 0 : index
    %get3A_56 = arith.constant 0 : index
    %get3A_57 = vector.load %arg10[%get3A_55, %get3A_56] : memref<128x128xf32, #tpu.memory_space<vmem>>, vector<128x128xf32>
    %dot_general3A = arith.constant dense<0.000000e+00> : vector<5000x128xf32>
    %dot_general3A_58 = tpu.matmul %max3A_54, %get3A_57, %dot_general3A {dimension_numbers = #tpu.dot_dimension_numbers<[1], [0], [0], [1], [0, 0, 1, 1], [], []>, transpose_lhs_hint = false} : vector<5000x128xf32>, vector<128x128xf32>, vector<5000x128xf32> -> vector<5000x128xf32>
    %get3A_59 = arith.constant 0 : index
    %get3A_60 = arith.constant 0 : index
    %get3A_61 = vector.load %arg6[%get3A_59, %get3A_60] : memref<5000x128xf32, #tpu.memory_space<vmem>>, vector<5000x128xf32>
    %get3A_62 = arith.constant 0 : index
    %get3A_63 = arith.constant 0 : index
    %get3A_64 = vector.load %arg11[%get3A_62, %get3A_63] : memref<128x128xf32, #tpu.memory_space<vmem>>, vector<128x128xf32>
    %dot_general3A_65 = arith.constant dense<0.000000e+00> : vector<5000x128xf32>
    %dot_general3A_66 = tpu.matmul %get3A_61, %get3A_64, %dot_general3A_65 {dimension_numbers = #tpu.dot_dimension_numbers<[1], [0], [0], [1], [0, 0, 1, 1], [], []>, transpose_lhs_hint = false} : vector<5000x128xf32>, vector<128x128xf32>, vector<5000x128xf32> -> vector<5000x128xf32>
    %add3A_67 = arith.addf %dot_general3A_58, %dot_general3A_66 : vector<5000x128xf32>
    %get3A_68 = arith.constant 0 : index
    %get3A_69 = arith.constant 0 : index
    %get3A_70 = vector.load %arg12[%get3A_68, %get3A_69] : memref<1x128xf32, #tpu.memory_space<vmem>>, vector<1x128xf32>
    %add3A_71 = vector.broadcast %get3A_70 : vector<1x128xf32> to vector<5000x128xf32>
    %add3A_72 = arith.addf %add3A_67, %add3A_71 : vector<5000x128xf32>
    %max3A_73 = arith.constant 0.000000e+00 : f32
    %max3A_74 = vector.broadcast %max3A_73 : f32 to vector<5000x128xf32>
    %max3A_75 = arith.maximumf %add3A_72, %max3A_74 : vector<5000x128xf32>
    %get3A_76 = arith.constant 0 : index
    %get3A_77 = arith.constant 0 : index
    %get3A_78 = vector.load %arg13[%get3A_76, %get3A_77] : memref<128x128xf32, #tpu.memory_space<vmem>>, vector<128x128xf32>
    %dot_general3A_79 = arith.constant dense<0.000000e+00> : vector<5000x128xf32>
    %dot_general3A_80 = tpu.matmul %max3A_75, %get3A_78, %dot_general3A_79 {dimension_numbers = #tpu.dot_dimension_numbers<[1], [0], [0], [1], [0, 0, 1, 1], [], []>, transpose_lhs_hint = false} : vector<5000x128xf32>, vector<128x128xf32>, vector<5000x128xf32> -> vector<5000x128xf32>
    %get3A_81 = arith.constant 0 : index
    %get3A_82 = arith.constant 0 : index
    %get3A_83 = vector.load %arg14[%get3A_81, %get3A_82] : memref<1x128xf32, #tpu.memory_space<vmem>>, vector<1x128xf32>
    %add3A_84 = vector.broadcast %get3A_83 : vector<1x128xf32> to vector<5000x128xf32>
    %add3A_85 = arith.addf %dot_general3A_80, %add3A_84 : vector<5000x128xf32>
    %swap3A = arith.constant 0 : index
    %swap3A_86 = arith.constant 0 : index
    %swap3A_87 = vector.load %arg15[%swap3A, %swap3A_86] : memref<5000x128xf32, #tpu.memory_space<vmem>>, vector<5000x128xf32>
    tpu.vector_store %arg15[%swap3A, %swap3A_86], %add3A_85 {strides = array<i32>} : memref<5000x128xf32, #tpu.memory_space<vmem>>, vector<5000x128xf32>,
    return
  }
  func.func @transform_0(%arg0: i32) -> (i32, i32) {
    %c0_i32 = arith.constant 0 : i32
    %c0_i32_0 = arith.constant 0 : i32
    return %arg0, %c0_i32 : i32, i32
  }
  func.func @transform_1(%arg0: i32) -> (i32, i32) {
    %c0_i32 = arith.constant 0 : i32
    %c0_i32_0 = arith.constant 0 : i32
    return %arg0, %c0_i32 : i32, i32
  }
  func.func @transform_2(%arg0: i32) -> (i32, i32) {
    %c0_i32 = arith.constant 0 : i32
    %c0_i32_0 = arith.constant 0 : i32
    return %arg0, %c0_i32 : i32, i32
  }
  func.func @transform_3(%arg0: i32) -> (i32, i32) {
    %c0_i32 = arith.constant 0 : i32
    %c0_i32_0 = arith.constant 0 : i32
    return %arg0, %c0_i32 : i32, i32
  }
  func.func @transform_4(%arg0: i32) -> (i32, i32) {
    %c0_i32 = arith.constant 0 : i32
    %c0_i32_0 = arith.constant 0 : i32
    return %arg0, %c0_i32 : i32, i32
  }
  func.func @transform_5(%arg0: i32) -> (i32, i32) {
    %c0_i32 = arith.constant 0 : i32
    %c0_i32_0 = arith.constant 0 : i32
    return %arg0, %c0_i32 : i32, i32
  }
  func.func @transform_6(%arg0: i32) -> (i32, i32) {
    %c0_i32 = arith.constant 0 : i32
    %c0_i32_0 = arith.constant 0 : i32
    %c0_i32_1 = arith.constant 0 : i32
    return %c0_i32, %c0_i32_0 : i32, i32
  }
  func.func @transform_7(%arg0: i32) -> (i32, i32) {
    %c0_i32 = arith.constant 0 : i32
    %c0_i32_0 = arith.constant 0 : i32
    %c0_i32_1 = arith.constant 0 : i32
    return %c0_i32, %c0_i32_0 : i32, i32
  }
  func.func @transform_8(%arg0: i32) -> (i32, i32) {
    %c0_i32 = arith.constant 0 : i32
    %c0_i32_0 = arith.constant 0 : i32
    %c0_i32_1 = arith.constant 0 : i32
    return %c0_i32, %c0_i32_0 : i32, i32
  }
  func.func @transform_9(%arg0: i32) -> (i32, i32) {
    %c0_i32 = arith.constant 0 : i32
    %c0_i32_0 = arith.constant 0 : i32
    %c0_i32_1 = arith.constant 0 : i32
    return %c0_i32, %c0_i32_0 : i32, i32
  }
  func.func @transform_10(%arg0: i32) -> (i32, i32) {
    %c0_i32 = arith.constant 0 : i32
    %c0_i32_0 = arith.constant 0 : i32
    %c0_i32_1 = arith.constant 0 : i32
    return %c0_i32, %c0_i32_0 : i32, i32
  }
  func.func @transform_11(%arg0: i32) -> (i32, i32) {
    %c0_i32 = arith.constant 0 : i32
    %c0_i32_0 = arith.constant 0 : i32
    %c0_i32_1 = arith.constant 0 : i32
    return %c0_i32, %c0_i32_0 : i32, i32
  }
  func.func @transform_12(%arg0: i32) -> (i32, i32) {
    %c0_i32 = arith.constant 0 : i32
    %c0_i32_0 = arith.constant 0 : i32
    %c0_i32_1 = arith.constant 0 : i32
    return %c0_i32, %c0_i32_0 : i32, i32
  }
  func.func @transform_13(%arg0: i32) -> (i32, i32) {
    %c0_i32 = arith.constant 0 : i32
    %c0_i32_0 = arith.constant 0 : i32
    %c0_i32_1 = arith.constant 0 : i32
    return %c0_i32, %c0_i32_0 : i32, i32
  }
  func.func @transform_14(%arg0: i32) -> (i32, i32) {
    %c0_i32 = arith.constant 0 : i32
    %c0_i32_0 = arith.constant 0 : i32
    return %arg0, %c0_i32 : i32, i32
  }
}

</mosaic_0001>

<sc_bundles>
// kernel: kernel.11.cloned.1.call-start
scs
__scs_entry_jumppad:
0x0: {  	(pc) =	sbr.rel $0x88, $3  }
0x1: {  	(tag) =	ssettag $0x0;
	lr =	simm.s32 $0x1  }
0x2: {  	[smem:$0x3F93] =	sst lr;
	_ =	strace $0xD0000000  }
0x3: {  	_ = 	snop  }
0x4: {  	_ = 	snop  }
0x5: {  	_ = 	snop  }
0x6: {  	_ = 	snop  }
0x7: {  	_ = 	snop  }
__scs_overlays_trampoline_lowered:
0x8: {  	[smem:$0x3FA2] =	sst s0  }
0x9: {  	[smem:$0x3FA3] =	sst s1  }
0xa: {  	[smem:$0x3FA4] =	sst s2  }
0xb: {  	[smem:$0x3FA5] =	sst s3  }
0xc: {  	[smem:$0x3FA6] =	sst s4  }
0xd: {  	[smem:$0x3FA7] =	sst s5  }
0xe: {  	[smem:$0x3FA8] =	sst s6  }
0xf: {  	[smem:$0x3FA9] =	sst s7  }
0x10: {  	[smem:$0x3FAA] =	sst s8  }
0x11: {  	[smem:$0x3FAB] =	sst s9;
	s0 =	simm.s32 @!p0 $0x0  }
0x12: {  	s1 =	sld [smem:$0x3F91];
	s0 =	simm.s32 @p0 $0x1  }
0x13: {  	[smem:$0x3FAC] =	sst s0;
	s0 =	simm.s32 @!p1 $0x0  }
0x14: {  	s2 =	sld [smem:$0x3F90];
	s0 =	simm.s32 @p1 $0x1  }
0x15: {  	[smem:$0x3FAD] =	sst s0;
	s0 =	simm.s32 @!p2 $0x0  }
0x16: {  	s3 =	sld [smem:$0x3FDB];
	s0 =	simm.s32 @p2 $0x1  }
0x17: {  	s4 =	simm.s32 $0x1BF5;
	[smem:$0x3FAF] =	sst s0  }
0x18: {  	s0 =	sld [smem:$0x3F92];
	_ =	swait.ge [sflag:s4], $0x0  }
0x19: {  	s7 =	sld [smem:$0x3F93]  }
0x1a: {  	s8 =	sadd.s32 $0xFFFFE003, lr  }
0x1b: {  	s9 =	sadd.s32 $0xFFFFFEF7, lr;
	s5 =	simm.s32 $0xFFFFFFFF;
	p2 =	slt.u32 s8, $0xFFFFF086  }
0x1c: {  	p1 =	slt.u32 s9, $0xF7A;
	s5 =	simm.s32 @!p2 $0x0  }
0x1d: {  	s5 =	simm.s32 @p1 $0x1;
	p0 =	seq.s32 s7, s2  }
0x1e: {  	s7 =	smul.u32 @!p0 $0xF7A, s2;
	p2 =	seq.s32 @!p0 s5, $0x0  }
0x1f: {  	s9 =	smul.u32 $0xF7A, s1;
	s8 =	simm.s32 @!p0 $0x1BF5;
	p2 =	por !p2, p0  }
0x20: {  	[sflag:s8] =	ssyncset.s32 @!p0 $0xFFFFF086;
	s6 =	sadd.s32 @!p0 s3, s7;
	s7 =	simm.s32 @!p0 $0x108  }
0x21: {  	s3 =	sadd.s32 s3, s9;
	s6 =	sadd.s32 @!p0 $0x88, s6;
	s7 =	simm.s32 @p2 $0x1082  }
0x22: {  	[simem:s7], [sflag:s8] =	dma.local @!p0 [hbm:s6], $0xF7A  }
0x23: {  	s9 =	sor.u32 $0xD0000000, s2;
	s6 =	simm.s32 $0x108;
	_ =	swait.ge @!p0 [sflag:s8], $0x0  }
0x24: {  	s3 =	sadd.s32 $0x88, s3;
	s6 =	simm.s32 @!p1 $0x1082;
	[sflag:s4] =	ssyncset.s32 $0xFFFFF086  }
0x25: {  	[simem:s6], [sflag:s4] =	dma.local [hbm:s3], $0xF7A  }
0x26: {  	[smem:$0x3F93] =	sst s1;
	(tag) =	ssettag s2;
	_ =	strace s9  }
0x27: {  	s1 =	sld [smem:$0x3FA3]  }
0x28: {  	s2 =	sld [smem:$0x3FA4]  }
0x29: {  	s4 =	sld [smem:$0x3FA6]  }
0x2a: {  	p0 =	seq.s32 s5, $0x0;
	s5 =	sld [smem:$0x3FA7]  }
0x2b: {  	s6 =	sld [smem:$0x3FA8]  }
0x2c: {  	s7 =	sld [smem:$0x3FA9]  }
0x2d: {  	s3 =	simm.s32 $0x108;
	s8 =	sld [smem:$0x3FAA]  }
0x2e: {  	s3 =	simm.s32 @!p0 $0x1082;
	s9 =	sld [smem:$0x3FAB]  }
0x2f: {  	lr =	sadd.s32 s0, s3;
	s0 =	sld [smem:$0x3FA2]  }
0x30: {  	s3 =	sld [smem:$0x3FA5]  }
0x31: {  	[smem:$0x3FAE] =	sst s10  }
0x32: {  	s10 =	sld [smem:$0x3FAC];
	_ =	sdelay $0x3  }
0x33: {  	p0 =	seq.s32 s10, $0x1;
	s10 =	sld [smem:$0x3FAE];
	_ =	sdelay $0x3  }
0x34: {  	[smem:$0x3FAE] =	sst s10  }
0x35: {  	s10 =	sld [smem:$0x3FAD];
	_ =	sdelay $0x3  }
0x36: {  	p1 =	seq.s32 s10, $0x1;
	s10 =	sld [smem:$0x3FAE];
	_ =	sdelay $0x3  }
0x37: {  	[smem:$0x3FAE] =	sst s10  }
0x38: {  	s10 =	sld [smem:$0x3FAF]  }
0x39: {  	_ = 	snop;
	(pc) =	sbr.ind lr, $3  }
0x3a: {  	_ = 	snop  }
0x3b: {  	_ = 	snop  }
0x3c: {  	p2 =	seq.s32 s10, $0x1;
	s10 =	sld [smem:$0x3FAE]  }
0x3d: {  	_ =	shalt  }
0x3e: {  	_ =	shalt  }
0x3f: {  	_ =	shalt  }
0x40: {  	_ =	shalt  }
0x41: {  	_ =	shalt  }
0x42: {  	_ =	shalt  }
0x43: {  	_ =	shalt  }
0x44: {  	_ =	shalt  }
0x45: {  	_ =	shalt  }
0x46: {  	_ =	shalt  }
0x47: {  	_ =	shalt  }
0x48: {  	_ =	shalt  }
0x49: {  	_ =	shalt  }
0x4a: {  	_ =	shalt  }
0x4b: {  	_ =	shalt  }
0x4c: {  	_ =	shalt  }
0x4d: {  	_ =	shalt  }
0x4e: {  	_ =	shalt  }
0x4f: {  	_ =	shalt  }
0x50: {  	_ =	shalt  }
0x51: {  	_ =	shalt  }
0x52: {  	_ =	shalt  }
0x53: {  	_ =	shalt  }
0x54: {  	_ =	shalt  }
0x55: {  	_ =	shalt  }
0x56: {  	_ =	shalt  }
0x57: {  	_ =	shalt  }
0x58: {  	_ =	shalt  }
0x59: {  	_ =	shalt  }
0x5a: {  	_ =	shalt  }
0x5b: {  	_ =	shalt  }
0x5c: {  	_ =	shalt  }
0x5d: {  	_ =	shalt  }
0x5e: {  	_ =	shalt  }
0x5f: {  	_ =	shalt  }
0x60: {  	_ =	shalt  }
0x61: {  	_ =	shalt  }
0x62: {  	_ =	shalt  }
0x63: {  	_ =	shalt  }
0x64: {  	_ =	shalt  }
0x65: {  	_ =	shalt  }
0x66: {  	_ =	shalt  }
0x67: {  	_ =	shalt  }
0x68: {  	_ =	shalt  }
0x69: {  	_ =	shalt  }
0x6a: {  	_ =	shalt  }
0x6b: {  	_ =	shalt  }
0x6c: {  	_ =	shalt  }
0x6d: {  	_ =	shalt  }
0x6e: {  	_ =	shalt  }
0x6f: {  	_ =	shalt  }
0x70: {  	_ =	shalt  }
0x71: {  	_ =	shalt  }
0x72: {  	_ =	shalt  }
0x73: {  	_ =	shalt  }
0x74: {  	_ =	shalt  }
0x75: {  	_ =	shalt  }
0x76: {  	_ =	shalt  }
0x77: {  	_ =	shalt  }
0x78: {  	_ =	shalt  }
0x79: {  	_ =	shalt  }
0x7a: {  	_ =	shalt  }
0x7b: {  	_ =	shalt  }
0x7c: {  	_ =	shalt  }
0x7d: {  	_ =	shalt  }
0x7e: {  	_ =	shalt  }
0x7f: {  	_ =	shalt  }
0x80: {  	_ =	shalt  }
0x81: {  	_ =	shalt  }
0x82: {  	_ =	shalt  }
0x83: {  	_ =	shalt  }
0x84: {  	_ =	shalt  }
0x85: {  	_ =	shalt  }
0x86: {  	_ =	shalt  }
0x87: {  	_ =	shalt  }
.Lfunc_end0:
.L_simem_size_0:
called_computation.1_lowered:
.L_overlay_start_0:
0x88: {  	s2 =	sld [smem:$0x3FD9]  }
0x89: {  	s3 =	sld [smem:$0x3FFE];
	_ =	sdelay $0x1  }
0x8a: {  	s1 =	srdreg.scid  }
0x8b: {  	s0 =	sand.u32 $0x1, s1  }
0x8c: {  	s16 =	sshll.u32 s0, $0xA;
	s2 =	sadd.s32 s3, s2  }
0x8d: {  	s2 =	sadd.s32 s2, s16  }
0x8e: {  	[smem:$0x3FBA] =	sst s2  }
0x8f: {  	_ = 	snop  }
0x90: {  	(tm) =	ssettm $0x1  }
0x91: {  	s17 =	sld [smem:$0x3FFB];
	_ =	sdelay $0x3  }
0x92: {  	_ =	strace s17  }
0x93: {  	s2 =	sld [smem:$0x3FFC];
	_ =	sdelay $0x3  }
0x94: {  	_ =	strace s2  }
0x95: {  	s2 =	sld [smem:$0x3FFD];
	_ =	sdelay $0x3  }
0x96: {  	_ =	strace s2  }
0x97: {  	_ =	strace $0x8FFFFFFF  }
0x98: {  	s18 =	sld [smem:$0x3FDB];
	_ =	sdelay $0x1  }
0x99: {  	s19 =	simm.s32 $_scs_section_size  }
0x9a: {  	s4 =	simm.s32 $_size__tile_overlayer_lowered;
	s5 =	simm.s32 $_tile_overlayer_lowered  }
0x9b: {  	s22 =	simm.s32 $0x1BFF;
	s21 =	sshll.u32 s5, $0x1;
	s2 =	sadd.s32 s19, s18  }
0x9c: {  	s6 =	simm.s32 $0x0;
	s20 =	sshll.u32 s4, $0x1;
	s4 =	sadd.s32 s21, s2  }
0x9d: {  	[timem:s6], [sflag:s22] =	dma.local [hbm:s4], s20  }
0x9e: {  	_ =	swait.ge [sflag:s22], s20  }
0x9f: {  	s3 =	ssub.s32 $0x0, s20;
	[sflag:s22] =	ssyncset.done $0x0  }
0xa0: {  	[sflag:s22] =	ssyncadd.s32 s3;
	_ =	sdelay $0x1  }
0xa1: {  	s23 =	simm.s32 $0x1B8B  }
0xa2: {  	_ =	swait.ge [sflag:s23], $0x1  }
0xa3: {  	[sflag:s23] =	ssyncset.done $0x0  }
0xa4: {  	s25 =	simm.s32 $0x1B8E;
	s24 =	sld [smem:$0x3FFE];
	[sflag:s23] =	ssyncadd.s32 $0xFFFFFFFF  }
0xa5: {  	s26 =	simm.s32 $execute0_lowered;
	[smem:$0x3FD2] =	sst s25  }
0xa6: {  	s4 =	sshll.u32 s26, $0x1;
	_ =	strace $0x80000049;
	[dreg:$0x1] =	wrdreg $0xFFFFFFFF  }
0xa7: {  	s28 =	simm.s32 $_size_execute0_lowered;
	s2 =	sadd.s32 s2, s4;
	[dreg:$0x0] =	wrdreg $0x0  }
0xa8: {  	s4 =	sshll.u32 s28, $0x1;
	[dreg:$0x2] =	wrdreg s2  }
0xa9: {  	[dreg:$0x3] =	wrdreg s4  }
0xaa: {  	[dreg:$0x4] =	wrdreg $0xC0  }
0xab: {  	_ =	task [dreg:s6], $0x5FFFF  }
0xac: {  	[dreg:$0x1] =	wrdreg $0xFFFFFFFF  }
0xad: {  	[dreg:$0x0] =	wrdreg $0x60  }
0xae: {  	[dreg:$0x2] =	wrdreg s24  }
0xaf: {  	[dreg:$0x3] =	wrdreg $0xA9000  }
0xb0: {  	[dreg:$0x4] =	wrdreg $0x9  }
0xb1: {  	_ =	task.clear_ibuf [dreg:s6], $0x5FFFF;
	_ =	strace $0x90000049  }
0xb2: {  	s29 =	simm.s32 $0x9;
	_ =	strace $0x8000004B  }
0xb3: {  	_ =	swait.ge [sflag:s29], $0x1  }
0xb4: {  	[sflag:s29] =	ssyncadd.s32 $0xFFFFFFFF  }
0xb5: {  	_ =	strace $0x9000004B  }
0xb6: {  	_ =	sfence  }
0xb7: {  	s30 =	sld [smem:$0x0];
	_ =	sdelay $0x2  }
0xb8: {  	s31 =	sshll.u32 s1, $0xD;
	s1 =	sshrl.u32 s1, $0x2  }
0xb9: {  	s3 =	sand.u32 $0x4000, s31;
	s1 =	sadd.s32 s1, s30  }
0xba: {  	s0 =	sor.u32 s3, s0;
	s1 =	sshll.u32 s1, $0x11  }
0xbb: {  	s0 =	sor.u32 s1, s0  }
0xbc: {  	s0 =	sadd.s32 $0x8F2B, s0  }
0xbd: {  	[sflag:s0] =	ssyncadd.remote.s32 $0x1  }
0xbe: {  	_ =	sfence.sel $0xFFFF  }
0xbf: {  	[dreg:$0x0] =	wrdreg $0xFFFFFFFF;
	(pc) =	sbr.abs _section_cstart, $3  }
0xc0: {  	[dreg:$0x1] =	wrdreg $0xFFFFFFFF  }
0xc1: {  	_ =	task.clear_ibuf [dreg:s6], $0x2FFFF;
	_ =	strace $0x9FFFFFFF  }
0xc2: {  	(tm) =	ssettm $0x7FFFFFFF  }
0xc3: {  	_ =	shalt  }
tec
execute0_lowered:
.L_overlay_start_1:
0x0: {  	(tag) =	ssettag $0x1  }
0x1: {  	s7 =	rddreg [dreg:$0x0]  }
0x2: {  	s1 =	srdreg.scid;
	s0 =	stileid.u32  }
0x3: {  	s2 =	rddreg [dreg:$0x1];
	s3 =	simm.s32 $0x0;
	s17 =	simm.s32 $0x80  }
0x4: {  	s18 =	simm.s32 $0x2800;
	s19 =	simm.s32 $0xA880;
	s20 =	simm.s32 $0x6800  }
0x5: {  	s21 =	simm.s32 $0x1;
	s22 =	simm.s32 $0x3;
	s23 =	simm.s32 $0x2  }
0x6: {  	s24 =	simm.s32 $0x4;
	s25 =	simm.s32 $0x0;
	s8 =	sand.u32 $0x1, s1  }
0x7: {  	s4 =	sshll.u32 s0, $0x1;
	[smem:$0x7FF] =	sst s3;
	s9 =	smul.u32 $0x13C00, s0  }
0x8: {  	s5 =	sadd.s32 $0x8F000, s7;
	s6 =	sadd.s32 $0x4800, s7;
	s29 =	smul.u32 $0x4F000, s0  }
0x9: {  	s31 =	sshll.u32 s0, $0x6;
	s4 =	sor.u32 s8, s4;
	s11 =	smul.u32 $0x13C000, s8  }
0xa: {  	_ =	strace $0x8000004A;
	s8 =	ssub.s32 $0x2, s8;
	s4 =	smul.u32 $0x2800, s4  }
0xb: {  	s13 =	sshrl.u32 s9, $0x3;
	s14 =	sshrl.u32 s8, $0x1;
	s30 =	sshrl.u32 s29, $0x2  }
0xc: {  	s9 =	sadd.s32 s9, s11;
	s13 =	sadd.s32 s13, s7;
	s14 =	ssub.s32 s8, s14  }
0xd: {  	s16 =	sadd.s32 s30, s2;
	s10 =	sshrl.u32 s4, $0x3;
	s9 =	sshrl.u32 s9, $0x3  }
0xe: {  	s8 =	sor.u32 $0x1C05, s31;
	s12 =	sadd.s32 s10, s7;
	s15 =	sadd.s32 s9, s7  }
0xf: {  	s7 =	sadd.s32 $0x18800, s13;
	s10 =	sadd.s32 s6, s10;
	s13 =	smax.u32 s14, $0x1  }
0x10: {  	s14 =	sshrl.u32 s16, $0x3;
	s16 =	simm.s32 $0xA800;
	s9 =	sadd.s32 $0xE800, s12  }
0x11: {  	s11 =	sadd.s32 $0x10, s10;
	s12 =	sadd.s32 $0xB6200, s15;
	s15 =	simm.s32 $0x5  }
.LBB2_1:
0x12: {  	[spmem:s14], [sflag:s8] =	dma.local [hbm:s7], $0x2780  }
0x13: {  	_ =	swait.ge [sflag:s15], $0x2780  }
0x14: {  	[sflag:s15] =	ssyncset.done $0x0  }
0x15: {  	[sflag:s15] =	ssyncadd.s32 $0xFFFFD880  }
0x16: {  	[tilespmem:s3], [sflag:$0x5] =	stream.linear.gather [hbm4b:s9+s3], $0x2800, $0x38;
	[tilespmem:$0x1E500] =	vst v63  }
0x17: {  	_ =	swait.ge [sflag:s15], $0x2800  }
0x18: {  	[sflag:s15] =	ssyncset.done $0x0  }
0x19: {  	[sflag:s15] =	ssyncadd.s32 $0xFFFFD800  }
0x1a: {  	[bflag:$0x0] =	sbarrier.arrive $0xFFFF  }
0x1b: {  	[tilespmem:s16], [sflag:$0x3] =	stream.linear.gather [hbm4b:s10+s3], $0x80, $0x38;
	[tilespmem:$0x1E500] =	vst v63  }
0x1c: {  	_ = 	snop  }
0x1d: {  	[tilespmem:s18], [sflag:$0x1] =	stream.indirect.gather [hbm4b:s5+s17], $0x80, s3, s17, $0xb8;
	[tilespmem:$0x1E500] =	vst v63  }
0x1e: {  	_ = 	snop  }
0x1f: {  	[tilespmem:s19], [sflag:$0x4] =	stream.linear.gather [hbm4b:s11+s3], $0x80, $0x38;
	[tilespmem:$0x1E500] =	vst v63  }
0x20: {  	_ = 	snop  }
0x21: {  	[tilespmem:s20], [sflag:$0x2] =	stream.indirect.gather [hbm4b:s5+s17], $0x80, s17, s17, $0xb8;
	[tilespmem:$0x1E500] =	vst v63  }
0x22: {  	_ =	swait.ge [sflag:s21], $0x4000  }
0x23: {  	[sflag:s21] =	ssyncset.done $0x0  }
0x24: {  	[sflag:s21] =	ssyncadd.s32 $0xFFFFC000  }
0x25: {  	s26 =	simm.s32 $0x100;
	_ =	swait.ge [sflag:s22], $0x80  }
0x26: {  	s28 =	sand.u32 $0x7C00, s26;
	[sflag:s22] =	ssyncset.done $0x0  }
0x27: {  	s26 =	sand.u32 $0x300, s26;
	s28 =	sadd.s32 s4, s28;
	[sflag:s22] =	ssyncadd.s32 $0xFFFFFF80  }
0x28: {  	[spmem:s2] =	stream.indirect.scatter.add.f32 [tilespmem:s18], [sflag:$0x5], $0x80, s16, s17, $0xb8;
	[tilespmem:$0x1E500] =	vst v63  }
0x29: {  	s26 =	sor.u32 s26, s28;
	_ =	swait.ge [sflag:s15], $0x4000  }
0x2a: {  	s26 =	sshrl.u32 s26, $0x3;
	[sflag:s15] =	ssyncset.done $0x0  }
0x2b: {  	s26 =	sadd.s32 s6, s26;
	[sflag:s15] =	ssyncadd.s32 $0xFFFFC000  }
0x2c: {  	[tilespmem:s16], [sflag:$0x3] =	stream.linear.gather [hbm4b:s26+s3], $0x80, $0x38;
	[tilespmem:$0x1E500] =	vst v63  }
0x2d: {  	s30 =	simm.s32 $0x100  }
0x2e: {  	[tilespmem:s18], [sflag:$0x1] =	stream.indirect.gather [hbm4b:s5+s17], $0x80, s30, s17, $0xb8;
	[tilespmem:$0x1E500] =	vst v63  }
0x2f: {  	_ =	swait.ge [sflag:s23], $0x4000  }
0x30: {  	[sflag:s23] =	ssyncset.done $0x0  }
0x31: {  	[sflag:s23] =	ssyncadd.s32 $0xFFFFC000  }
0x32: {  	s31 =	simm.s32 $0x180;
	_ =	swait.ge [sflag:s24], $0x80  }
0x33: {  	s28 =	sand.u32 $0x7C00, s31;
	[sflag:s24] =	ssyncset.done $0x0  }
0x34: {  	s28 =	sadd.s32 s4, s28;
	s26 =	sand.u32 $0x380, s31;
	[sflag:s24] =	ssyncadd.s32 $0xFFFFFF80  }
0x35: {  	[spmem:s2] =	stream.indirect.scatter.add.f32 [tilespmem:s20], [sflag:$0x5], $0x80, s19, s17, $0xb8;
	[tilespmem:$0x1E500] =	vst v63  }
0x36: {  	s26 =	sor.u32 s26, s28;
	_ =	swait.ge [sflag:s15], $0x4000  }
0x37: {  	s26 =	sshrl.u32 s26, $0x3;
	[sflag:s15] =	ssyncset.done $0x0  }
0x38: {  	s26 =	sadd.s32 s6, s26;
	[sflag:s15] =	ssyncadd.s32 $0xFFFFC000  }
0x39: {  	[tilespmem:s19], [sflag:$0x4] =	stream.linear.gather [hbm4b:s26+s3], $0x80, $0x38;
	[tilespmem:$0x1E500] =	vst v63  }
0x3a: {  	s29 =	simm.s32 $0x200;
	s28 =	simm.s32 $0x180;
	s26 =	simm.s32 $0x280  }
.LBB2_2:
0x3b: {  	s30 =	sadd.s32 $0x80, s29  }
0x3c: {  	p0 =	sne.s32 s26, $0x2780;
	s31 =	smov.u32 s26;
	s26 =	sadd.s32 $0x100, s26  }
0x3d: {  	[tilespmem:s20], [sflag:$0x2] =	stream.indirect.gather [hbm4b:s5+s17], $0x80, s28, s17, $0xb8;
	[tilespmem:$0x1E500] =	vst v63  }
0x3e: {  	s28 =	smov.u32 s30;
	_ =	swait.ge [sflag:s21], $0x4000  }
0x3f: {  	[sflag:s21] =	ssyncset.done $0x0  }
0x40: {  	[sflag:s21] =	ssyncadd.s32 $0xFFFFC000  }
0x41: {  	_ =	swait.ge [sflag:s22], $0x80  }
0x42: {  	s30 =	sadd.s32 $0xFFFFFF80, s31;
	[sflag:s22] =	ssyncset.done $0x0  }
0x43: {  	s1 =	sand.u32 $0x7C00, s30;
	s30 =	sand.u32 $0x300, s30;
	[sflag:s22] =	ssyncadd.s32 $0xFFFFFF80  }
0x44: {  	[spmem:s2] =	stream.indirect.scatter.add.f32 [tilespmem:s18], [sflag:$0x5], $0x80, s16, s17, $0xb8;
	[tilespmem:$0x1E500] =	vst v63  }
0x45: {  	s1 =	sadd.s32 s4, s1;
	_ =	swait.ge [sflag:s15], $0x4000  }
0x46: {  	s1 =	sor.u32 s30, s1;
	[sflag:s15] =	ssyncset.done $0x0  }
0x47: {  	s1 =	sshrl.u32 s1, $0x3;
	[sflag:s15] =	ssyncadd.s32 $0xFFFFC000  }
0x48: {  	s1 =	sadd.s32 s6, s1  }
0x49: {  	[tilespmem:s16], [sflag:$0x3] =	stream.linear.gather [hbm4b:s1+s3], $0x80, $0x38;
	[tilespmem:$0x1E500] =	vst v63  }
0x4a: {  	_ = 	snop  }
0x4b: {  	[tilespmem:s18], [sflag:$0x1] =	stream.indirect.gather [hbm4b:s5+s17], $0x80, s29, s17, $0xb8;
	[tilespmem:$0x1E500] =	vst v63  }
0x4c: {  	_ =	swait.ge [sflag:s23], $0x4000  }
0x4d: {  	[sflag:s23] =	ssyncset.done $0x0  }
0x4e: {  	[sflag:s23] =	ssyncadd.s32 $0xFFFFC000  }
0x4f: {  	_ =	swait.ge [sflag:s24], $0x80  }
0x50: {  	s1 =	sand.u32 $0x7C00, s31;
	[sflag:s24] =	ssyncset.done $0x0  }
0x51: {  	s30 =	sand.u32 $0x380, s31;
	s1 =	sadd.s32 s4, s1;
	[sflag:s24] =	ssyncadd.s32 $0xFFFFFF80  }
0x52: {  	[spmem:s2] =	stream.indirect.scatter.add.f32 [tilespmem:s20], [sflag:$0x5], $0x80, s19, s17, $0xb8;
	[tilespmem:$0x1E500] =	vst v63  }
.Ltmp0:
0x53: {  	_ = 	snop;
	(pc) =	sbr.rel @p0 .LBB2_2-.Ltmp0, $4  }
0x54: {  	s1 =	sor.u32 s30, s1;
	_ =	swait.ge [sflag:s15], $0x4000  }
0x55: {  	s1 =	sshrl.u32 s1, $0x3;
	[sflag:s15] =	ssyncset.done $0x0  }
0x56: {  	s29 =	sadd.s32 $0x100, s29;
	s1 =	sadd.s32 s6, s1;
	[sflag:s15] =	ssyncadd.s32 $0xFFFFC000  }
0x57: {  	[tilespmem:s19], [sflag:$0x4] =	stream.linear.gather [hbm4b:s1+s3], $0x80, $0x38;
	[tilespmem:$0x1E500] =	vst v63  }
0x58: {  	[tilespmem:s20], [sflag:$0x2] =	stream.indirect.gather [hbm4b:s5+s17], $0x80, s28, s17, $0xb8;
	[tilespmem:$0x1E500] =	vst v63  }
0x59: {  	_ =	swait.ge [sflag:s21], $0x4000  }
0x5a: {  	[sflag:s21] =	ssyncset.done $0x0  }
0x5b: {  	[sflag:s21] =	ssyncadd.s32 $0xFFFFC000  }
0x5c: {  	_ =	swait.ge [sflag:s22], $0x80  }
0x5d: {  	[sflag:s22] =	ssyncset.done $0x0  }
0x5e: {  	[sflag:s22] =	ssyncadd.s32 $0xFFFFFF80  }
0x5f: {  	[spmem:s2] =	stream.indirect.scatter.add.f32 [tilespmem:s18], [sflag:$0x5], $0x80, s16, s17, $0xb8;
	[tilespmem:$0x1E500] =	vst v63  }
0x60: {  	_ =	swait.ge [sflag:s15], $0x4000  }
0x61: {  	[sflag:s15] =	ssyncset.done $0x0  }
0x62: {  	[sflag:s15] =	ssyncadd.s32 $0xFFFFC000  }
0x63: {  	_ =	swait.ge [sflag:s23], $0x4000  }
0x64: {  	[sflag:s23] =	ssyncset.done $0x0  }
0x65: {  	[sflag:s23] =	ssyncadd.s32 $0xFFFFC000  }
0x66: {  	_ =	swait.ge [sflag:s24], $0x80  }
0x67: {  	[sflag:s24] =	ssyncset.done $0x0  }
0x68: {  	[sflag:s24] =	ssyncadd.s32 $0xFFFFFF80  }
0x69: {  	[spmem:s2] =	stream.indirect.scatter.add.f32 [tilespmem:s20], [sflag:$0x5], $0x80, s19, s17, $0xb8;
	[tilespmem:$0x1E500] =	vst v63  }
0x6a: {  	_ =	swait.ge [sflag:s15], $0x4000  }
0x6b: {  	s25 =	sadd.s32 $0x1, s25;
	[sflag:s15] =	ssyncset.done $0x0  }
0x6c: {  	p0 =	sne.s32 s25, s13;
	[sflag:s15] =	ssyncadd.s32 $0xFFFFC000  }
.Ltmp1:
0x6d: {  	[bflag:$0x0] =	sbarrier.arrive $0xFFFF;
	(pc) =	sbr.rel @p0 .LBB2_1-.Ltmp1, $4  }
0x6e: {  	[hbm:s12], [sflag:s8] =	dma.local [spmem:s14], $0x2780  }
0x6f: {  	_ =	swait.ge [sflag:s15], $0x2780  }
0x70: {  	[sflag:s15] =	ssyncset.done $0x0  }
0x71: {  	[sflag:s15] =	ssyncadd.s32 $0xFFFFD880  }
0x72: {  	_ =	sfence.sel $0x180000  }
0x73: {  	[bflag:$0x0] =	sbarrier.arrive $0xFFFF  }
0x74: {  	_ =	strace $0x9000004A  }
0x75: {  	[bflag:$0x2] =	sbarrier.arrive $0xFFFF  }
0x76: {  	p0 =	sne.s32 s0, $0x0;
	s0 =	rddreg [dreg:$0x2]  }
0x77: {  	s0 =	sadd.s32 @!p0 $0x100000, s0  }
0x78: {  	[sflag:s0] =	ssyncadd.tile.s32 @!p0 $0x1;
	_ =	shalt  }
.Lfunc_end2:
_tile_overlayer_lowered:
.L_overlay_start_2:
0x79: {  	(tag) =	ssettag $0x2  }
0x7a: {  	s0 =	rddreg [dreg:$0x0];
	s2 =	stileid.u32  }
0x7b: {  	s1 =	rddreg [dreg:$0x1];
	p0 =	sne.s32 s2, $0x0  }
0x7c: {  	s3 =	rddreg [dreg:$0x2];
	[bflag:$0x3] =	sbarrier.arrive $0xFFFF;
	s2 =	simm.s32 @!p0 $0x1C05  }
0x7d: {  	[timem:s3], [sflag:s2] =	dma.local @!p0 [hbm:s0], s1  }
0x7e: {  	s0 =	simm.s32 @!p0 $0x5  }
0x7f: {  	_ =	swait.ge @!p0 [sflag:s0], s1  }
0x80: {  	s1 =	ssub.s32 @!p0 $0x0, s1;
	[sflag:s0] =	ssyncset.done @!p0 $0x0  }
0x81: {  	[sflag:s0] =	ssyncadd.s32 @!p0 s1  }
0x82: {  	[bflag:$0x3] =	sbarrier.arrive $0xFFFF  }
0x83: {  	_ =	shalt  }

// kernel: kernel.14.cloned.1.call-start
scs
__scs_entry_jumppad:
0x0: {  	(pc) =	sbr.rel $0x88, $3  }
0x1: {  	(tag) =	ssettag $0x0;
	lr =	simm.s32 $0x1  }
0x2: {  	[smem:$0x3F93] =	sst lr;
	_ =	strace $0xD0000000  }
0x3: {  	_ = 	snop  }
0x4: {  	_ = 	snop  }
0x5: {  	_ = 	snop  }
0x6: {  	_ = 	snop  }
0x7: {  	_ = 	snop  }
__scs_overlays_trampoline_lowered:
0x8: {  	[smem:$0x3FA2] =	sst s0  }
0x9: {  	[smem:$0x3FA3] =	sst s1  }
0xa: {  	[smem:$0x3FA4] =	sst s2  }
0xb: {  	[smem:$0x3FA5] =	sst s3  }
0xc: {  	[smem:$0x3FA6] =	sst s4  }
0xd: {  	[smem:$0x3FA7] =	sst s5  }
0xe: {  	[smem:$0x3FA8] =	sst s6  }
0xf: {  	[smem:$0x3FA9] =	sst s7  }
0x10: {  	[smem:$0x3FAA] =	sst s8  }
0x11: {  	[smem:$0x3FAB] =	sst s9;
	s0 =	simm.s32 @!p0 $0x0  }
0x12: {  	s1 =	sld [smem:$0x3F91];
	s0 =	simm.s32 @p0 $0x1  }
0x13: {  	[smem:$0x3FAC] =	sst s0;
	s0 =	simm.s32 @!p1 $0x0  }
0x14: {  	s2 =	sld [smem:$0x3F90];
	s0 =	simm.s32 @p1 $0x1  }
0x15: {  	[smem:$0x3FAD] =	sst s0;
	s0 =	simm.s32 @!p2 $0x0  }
0x16: {  	s3 =	sld [smem:$0x3FDB];
	s0 =	simm.s32 @p2 $0x1  }
0x17: {  	s4 =	simm.s32 $0x1BF5;
	[smem:$0x3FAF] =	sst s0  }
0x18: {  	s0 =	sld [smem:$0x3F92];
	_ =	swait.ge [sflag:s4], $0x0  }
0x19: {  	s7 =	sld [smem:$0x3F93]  }
0x1a: {  	s8 =	sadd.s32 $0xFFFFE003, lr  }
0x1b: {  	s9 =	sadd.s32 $0xFFFFFEF7, lr;
	s5 =	simm.s32 $0xFFFFFFFF;
	p2 =	slt.u32 s8, $0xFFFFF086  }
0x1c: {  	p1 =	slt.u32 s9, $0xF7A;
	s5 =	simm.s32 @!p2 $0x0  }
0x1d: {  	s5 =	simm.s32 @p1 $0x1;
	p0 =	seq.s32 s7, s2  }
0x1e: {  	s7 =	smul.u32 @!p0 $0xF7A, s2;
	p2 =	seq.s32 @!p0 s5, $0x0  }
0x1f: {  	s9 =	smul.u32 $0xF7A, s1;
	s8 =	simm.s32 @!p0 $0x1BF5;
	p2 =	por !p2, p0  }
0x20: {  	[sflag:s8] =	ssyncset.s32 @!p0 $0xFFFFF086;
	s6 =	sadd.s32 @!p0 s3, s7;
	s7 =	simm.s32 @!p0 $0x108  }
0x21: {  	s3 =	sadd.s32 s3, s9;
	s6 =	sadd.s32 @!p0 $0x88, s6;
	s7 =	simm.s32 @p2 $0x1082  }
0x22: {  	[simem:s7], [sflag:s8] =	dma.local @!p0 [hbm:s6], $0xF7A  }
0x23: {  	s9 =	sor.u32 $0xD0000000, s2;
	s6 =	simm.s32 $0x108;
	_ =	swait.ge @!p0 [sflag:s8], $0x0  }
0x24: {  	s3 =	sadd.s32 $0x88, s3;
	s6 =	simm.s32 @!p1 $0x1082;
	[sflag:s4] =	ssyncset.s32 $0xFFFFF086  }
0x25: {  	[simem:s6], [sflag:s4] =	dma.local [hbm:s3], $0xF7A  }
0x26: {  	[smem:$0x3F93] =	sst s1;
	(tag) =	ssettag s2;
	_ =	strace s9  }
0x27: {  	s1 =	sld [smem:$0x3FA3]  }
0x28: {  	s2 =	sld [smem:$0x3FA4]  }
0x29: {  	s4 =	sld [smem:$0x3FA6]  }
0x2a: {  	p0 =	seq.s32 s5, $0x0;
	s5 =	sld [smem:$0x3FA7]  }
0x2b: {  	s6 =	sld [smem:$0x3FA8]  }
0x2c: {  	s7 =	sld [smem:$0x3FA9]  }
0x2d: {  	s3 =	simm.s32 $0x108;
	s8 =	sld [smem:$0x3FAA]  }
0x2e: {  	s3 =	simm.s32 @!p0 $0x1082;
	s9 =	sld [smem:$0x3FAB]  }
0x2f: {  	lr =	sadd.s32 s0, s3;
	s0 =	sld [smem:$0x3FA2]  }
0x30: {  	s3 =	sld [smem:$0x3FA5]  }
0x31: {  	[smem:$0x3FAE] =	sst s10  }
0x32: {  	s10 =	sld [smem:$0x3FAC];
	_ =	sdelay $0x3  }
0x33: {  	p0 =	seq.s32 s10, $0x1;
	s10 =	sld [smem:$0x3FAE];
	_ =	sdelay $0x3  }
0x34: {  	[smem:$0x3FAE] =	sst s10  }
0x35: {  	s10 =	sld [smem:$0x3FAD];
	_ =	sdelay $0x3  }
0x36: {  	p1 =	seq.s32 s10, $0x1;
	s10 =	sld [smem:$0x3FAE];
	_ =	sdelay $0x3  }
0x37: {  	[smem:$0x3FAE] =	sst s10  }
0x38: {  	s10 =	sld [smem:$0x3FAF]  }
0x39: {  	_ = 	snop;
	(pc) =	sbr.ind lr, $3  }
0x3a: {  	_ = 	snop  }
0x3b: {  	_ = 	snop  }
0x3c: {  	p2 =	seq.s32 s10, $0x1;
	s10 =	sld [smem:$0x3FAE]  }
0x3d: {  	_ =	shalt  }
0x3e: {  	_ =	shalt  }
0x3f: {  	_ =	shalt  }
0x40: {  	_ =	shalt  }
0x41: {  	_ =	shalt  }
0x42: {  	_ =	shalt  }
0x43: {  	_ =	shalt  }
0x44: {  	_ =	shalt  }
0x45: {  	_ =	shalt  }
0x46: {  	_ =	shalt  }
0x47: {  	_ =	shalt  }
0x48: {  	_ =	shalt  }
0x49: {  	_ =	shalt  }
0x4a: {  	_ =	shalt  }
0x4b: {  	_ =	shalt  }
0x4c: {  	_ =	shalt  }
0x4d: {  	_ =	shalt  }
0x4e: {  	_ =	shalt  }
0x4f: {  	_ =	shalt  }
0x50: {  	_ =	shalt  }
0x51: {  	_ =	shalt  }
0x52: {  	_ =	shalt  }
0x53: {  	_ =	shalt  }
0x54: {  	_ =	shalt  }
0x55: {  	_ =	shalt  }
0x56: {  	_ =	shalt  }
0x57: {  	_ =	shalt  }
0x58: {  	_ =	shalt  }
0x59: {  	_ =	shalt  }
0x5a: {  	_ =	shalt  }
0x5b: {  	_ =	shalt  }
0x5c: {  	_ =	shalt  }
0x5d: {  	_ =	shalt  }
0x5e: {  	_ =	shalt  }
0x5f: {  	_ =	shalt  }
0x60: {  	_ =	shalt  }
0x61: {  	_ =	shalt  }
0x62: {  	_ =	shalt  }
0x63: {  	_ =	shalt  }
0x64: {  	_ =	shalt  }
0x65: {  	_ =	shalt  }
0x66: {  	_ =	shalt  }
0x67: {  	_ =	shalt  }
0x68: {  	_ =	shalt  }
0x69: {  	_ =	shalt  }
0x6a: {  	_ =	shalt  }
0x6b: {  	_ =	shalt  }
0x6c: {  	_ =	shalt  }
0x6d: {  	_ =	shalt  }
0x6e: {  	_ =	shalt  }
0x6f: {  	_ =	shalt  }
0x70: {  	_ =	shalt  }
0x71: {  	_ =	shalt  }
0x72: {  	_ =	shalt  }
0x73: {  	_ =	shalt  }
0x74: {  	_ =	shalt  }
0x75: {  	_ =	shalt  }
0x76: {  	_ =	shalt  }
0x77: {  	_ =	shalt  }
0x78: {  	_ =	shalt  }
0x79: {  	_ =	shalt  }
0x7a: {  	_ =	shalt  }
0x7b: {  	_ =	shalt  }
0x7c: {  	_ =	shalt  }
0x7d: {  	_ =	shalt  }
0x7e: {  	_ =	shalt  }
0x7f: {  	_ =	shalt  }
0x80: {  	_ =	shalt  }
0x81: {  	_ =	shalt  }
0x82: {  	_ =	shalt  }
0x83: {  	_ =	shalt  }
0x84: {  	_ =	shalt  }
0x85: {  	_ =	shalt  }
0x86: {  	_ =	shalt  }
0x87: {  	_ =	shalt  }
.Lfunc_end0:
.L_simem_size_0:
called_computation.2_lowered:
.L_overlay_start_0:
0x88: {  	s2 =	sld [smem:$0x3FD9]  }
0x89: {  	s3 =	sld [smem:$0x3FFE];
	_ =	sdelay $0x1  }
0x8a: {  	s1 =	srdreg.scid  }
0x8b: {  	s0 =	sand.u32 $0x1, s1  }
0x8c: {  	s16 =	sshll.u32 s0, $0xA;
	s2 =	sadd.s32 s3, s2  }
0x8d: {  	s2 =	sadd.s32 s2, s16  }
0x8e: {  	[smem:$0x3FBA] =	sst s2  }
0x8f: {  	_ = 	snop  }
0x90: {  	(tm) =	ssettm $0x1  }
0x91: {  	s17 =	sld [smem:$0x3FFB];
	_ =	sdelay $0x3  }
0x92: {  	_ =	strace s17  }
0x93: {  	s2 =	sld [smem:$0x3FFC];
	_ =	sdelay $0x3  }
0x94: {  	_ =	strace s2  }
0x95: {  	s2 =	sld [smem:$0x3FFD];
	_ =	sdelay $0x3  }
0x96: {  	_ =	strace s2  }
0x97: {  	_ =	strace $0x8FFFFFFF  }
0x98: {  	s18 =	sld [smem:$0x3FDB];
	_ =	sdelay $0x1  }
0x99: {  	s19 =	simm.s32 $_scs_section_size  }
0x9a: {  	s4 =	simm.s32 $_size__tile_overlayer_lowered;
	s5 =	simm.s32 $_tile_overlayer_lowered  }
0x9b: {  	s22 =	simm.s32 $0x1BFF;
	s21 =	sshll.u32 s5, $0x1;
	s2 =	sadd.s32 s19, s18  }
0x9c: {  	s6 =	simm.s32 $0x0;
	s20 =	sshll.u32 s4, $0x1;
	s4 =	sadd.s32 s21, s2  }
0x9d: {  	[timem:s6], [sflag:s22] =	dma.local [hbm:s4], s20  }
0x9e: {  	_ =	swait.ge [sflag:s22], s20  }
0x9f: {  	s3 =	ssub.s32 $0x0, s20;
	[sflag:s22] =	ssyncset.done $0x0  }
0xa0: {  	[sflag:s22] =	ssyncadd.s32 s3;
	_ =	sdelay $0x1  }
0xa1: {  	s23 =	simm.s32 $0x1B8B  }
0xa2: {  	_ =	swait.ge [sflag:s23], $0x1  }
0xa3: {  	[sflag:s23] =	ssyncset.done $0x0  }
0xa4: {  	s25 =	simm.s32 $0x1B8E;
	s24 =	sld [smem:$0x3FFE];
	[sflag:s23] =	ssyncadd.s32 $0xFFFFFFFF  }
0xa5: {  	s26 =	simm.s32 $execute0_lowered;
	[smem:$0x3FD2] =	sst s25  }
0xa6: {  	s4 =	sshll.u32 s26, $0x1;
	_ =	strace $0x8000004C;
	[dreg:$0x1] =	wrdreg $0xFFFFFFFF  }
0xa7: {  	s28 =	simm.s32 $_size_execute0_lowered;
	s2 =	sadd.s32 s2, s4;
	[dreg:$0x0] =	wrdreg $0x0  }
0xa8: {  	s4 =	sshll.u32 s28, $0x1;
	[dreg:$0x2] =	wrdreg s2  }
0xa9: {  	[dreg:$0x3] =	wrdreg s4  }
0xaa: {  	[dreg:$0x4] =	wrdreg $0xC0  }
0xab: {  	_ =	task [dreg:s6], $0x5FFFF  }
0xac: {  	[dreg:$0x1] =	wrdreg $0xFFFFFFFF  }
0xad: {  	[dreg:$0x0] =	wrdreg $0x60  }
0xae: {  	[dreg:$0x2] =	wrdreg s24  }
0xaf: {  	[dreg:$0x3] =	wrdreg $0xA9000  }
0xb0: {  	[dreg:$0x4] =	wrdreg $0x9  }
0xb1: {  	_ =	task.clear_ibuf [dreg:s6], $0x5FFFF;
	_ =	strace $0x9000004C  }
0xb2: {  	s29 =	simm.s32 $0x9;
	_ =	strace $0x8000004E  }
0xb3: {  	_ =	swait.ge [sflag:s29], $0x1  }
0xb4: {  	[sflag:s29] =	ssyncadd.s32 $0xFFFFFFFF  }
0xb5: {  	_ =	strace $0x9000004E  }
0xb6: {  	_ =	sfence  }
0xb7: {  	s30 =	sld [smem:$0x0];
	_ =	sdelay $0x2  }
0xb8: {  	s31 =	sshll.u32 s1, $0xD;
	s1 =	sshrl.u32 s1, $0x2  }
0xb9: {  	s3 =	sand.u32 $0x4000, s31;
	s1 =	sadd.s32 s1, s30  }
0xba: {  	s0 =	sor.u32 s3, s0;
	s1 =	sshll.u32 s1, $0x11  }
0xbb: {  	s0 =	sor.u32 s1, s0  }
0xbc: {  	s0 =	sadd.s32 $0x8F2B, s0  }
0xbd: {  	[sflag:s0] =	ssyncadd.remote.s32 $0x1  }
0xbe: {  	_ =	sfence.sel $0xFFFF  }
0xbf: {  	[dreg:$0x0] =	wrdreg $0xFFFFFFFF;
	(pc) =	sbr.abs _section_cstart, $3  }
0xc0: {  	[dreg:$0x1] =	wrdreg $0xFFFFFFFF  }
0xc1: {  	_ =	task.clear_ibuf [dreg:s6], $0x2FFFF;
	_ =	strace $0x9FFFFFFF  }
0xc2: {  	(tm) =	ssettm $0x7FFFFFFF  }
0xc3: {  	_ =	shalt  }
tec
execute0_lowered:
.L_overlay_start_1:
0x0: {  	(tag) =	ssettag $0x1  }
0x1: {  	s7 =	rddreg [dreg:$0x0]  }
0x2: {  	s1 =	srdreg.scid;
	s0 =	stileid.u32  }
0x3: {  	s2 =	rddreg [dreg:$0x1];
	s3 =	simm.s32 $0x0;
	s17 =	simm.s32 $0x80  }
0x4: {  	s18 =	simm.s32 $0x2800;
	s19 =	simm.s32 $0xA880;
	s20 =	simm.s32 $0x6800  }
0x5: {  	s21 =	simm.s32 $0x1;
	s22 =	simm.s32 $0x3;
	s23 =	simm.s32 $0x2  }
0x6: {  	s24 =	simm.s32 $0x4;
	s25 =	simm.s32 $0x0;
	s8 =	sand.u32 $0x1, s1  }
0x7: {  	s4 =	sshll.u32 s0, $0x1;
	[smem:$0x7FF] =	sst s3;
	s9 =	smul.u32 $0x13C00, s0  }
0x8: {  	s5 =	sadd.s32 $0x8F000, s7;
	s6 =	sadd.s32 $0x4800, s7;
	s29 =	smul.u32 $0x4F000, s0  }
0x9: {  	s31 =	sshll.u32 s0, $0x6;
	s4 =	sor.u32 s8, s4;
	s11 =	smul.u32 $0x13C000, s8  }
0xa: {  	_ =	strace $0x8000004D;
	s8 =	ssub.s32 $0x2, s8;
	s4 =	smul.u32 $0x2800, s4  }
0xb: {  	s13 =	sshrl.u32 s9, $0x3;
	s14 =	sshrl.u32 s8, $0x1;
	s30 =	sshrl.u32 s29, $0x2  }
0xc: {  	s9 =	sadd.s32 s9, s11;
	s13 =	sadd.s32 s13, s7;
	s14 =	ssub.s32 s8, s14  }
0xd: {  	s16 =	sadd.s32 s30, s2;
	s10 =	sshrl.u32 s4, $0x3;
	s9 =	sshrl.u32 s9, $0x3  }
0xe: {  	s8 =	sor.u32 $0x1C05, s31;
	s12 =	sadd.s32 s10, s7;
	s15 =	sadd.s32 s9, s7  }
0xf: {  	s7 =	sadd.s32 $0x18800, s13;
	s10 =	sadd.s32 s6, s10;
	s13 =	smax.u32 s14, $0x1  }
0x10: {  	s14 =	sshrl.u32 s16, $0x3;
	s16 =	simm.s32 $0xA800;
	s9 =	sadd.s32 $0xE800, s12  }
0x11: {  	s11 =	sadd.s32 $0x10, s10;
	s12 =	sadd.s32 $0xB6200, s15;
	s15 =	simm.s32 $0x5  }
.LBB2_1:
0x12: {  	[spmem:s14], [sflag:s8] =	dma.local [hbm:s7], $0x2780  }
0x13: {  	_ =	swait.ge [sflag:s15], $0x2780  }
0x14: {  	[sflag:s15] =	ssyncset.done $0x0  }
0x15: {  	[sflag:s15] =	ssyncadd.s32 $0xFFFFD880  }
0x16: {  	[tilespmem:s3], [sflag:$0x5] =	stream.linear.gather [hbm4b:s9+s3], $0x2800, $0x38;
	[tilespmem:$0x1E500] =	vst v63  }
0x17: {  	_ =	swait.ge [sflag:s15], $0x2800  }
0x18: {  	[sflag:s15] =	ssyncset.done $0x0  }
0x19: {  	[sflag:s15] =	ssyncadd.s32 $0xFFFFD800  }
0x1a: {  	[bflag:$0x0] =	sbarrier.arrive $0xFFFF  }
0x1b: {  	[tilespmem:s16], [sflag:$0x3] =	stream.linear.gather [hbm4b:s10+s3], $0x80, $0x38;
	[tilespmem:$0x1E500] =	vst v63  }
0x1c: {  	_ = 	snop  }
0x1d: {  	[tilespmem:s18], [sflag:$0x1] =	stream.indirect.gather [hbm4b:s5+s17], $0x80, s3, s17, $0xb8;
	[tilespmem:$0x1E500] =	vst v63  }
0x1e: {  	_ = 	snop  }
0x1f: {  	[tilespmem:s19], [sflag:$0x4] =	stream.linear.gather [hbm4b:s11+s3], $0x80, $0x38;
	[tilespmem:$0x1E500] =	vst v63  }
0x20: {  	_ = 	snop  }
0x21: {  	[tilespmem:s20], [sflag:$0x2] =	stream.indirect.gather [hbm4b:s5+s17], $0x80, s17, s17, $0xb8;
	[tilespmem:$0x1E500] =	vst v63  }
0x22: {  	_ =	swait.ge [sflag:s21], $0x4000  }
0x23: {  	[sflag:s21] =	ssyncset.done $0x0  }
0x24: {  	[sflag:s21] =	ssyncadd.s32 $0xFFFFC000  }
0x25: {  	s26 =	simm.s32 $0x100;
	_ =	swait.ge [sflag:s22], $0x80  }
0x26: {  	s28 =	sand.u32 $0x7C00, s26;
	[sflag:s22] =	ssyncset.done $0x0  }
0x27: {  	s26 =	sand.u32 $0x300, s26;
	s28 =	sadd.s32 s4, s28;
	[sflag:s22] =	ssyncadd.s32 $0xFFFFFF80  }
0x28: {  	[spmem:s2] =	stream.indirect.scatter.add.f32 [tilespmem:s18], [sflag:$0x5], $0x80, s16, s17, $0xb8;
	[tilespmem:$0x1E500] =	vst v63  }
0x29: {  	s26 =	sor.u32 s26, s28;
	_ =	swait.ge [sflag:s15], $0x4000  }
0x2a: {  	s26 =	sshrl.u32 s26, $0x3;
	[sflag:s15] =	ssyncset.done $0x0  }
0x2b: {  	s26 =	sadd.s32 s6, s26;
	[sflag:s15] =	ssyncadd.s32 $0xFFFFC000  }
0x2c: {  	[tilespmem:s16], [sflag:$0x3] =	stream.linear.gather [hbm4b:s26+s3], $0x80, $0x38;
	[tilespmem:$0x1E500] =	vst v63  }
0x2d: {  	s30 =	simm.s32 $0x100  }
0x2e: {  	[tilespmem:s18], [sflag:$0x1] =	stream.indirect.gather [hbm4b:s5+s17], $0x80, s30, s17, $0xb8;
	[tilespmem:$0x1E500] =	vst v63  }
0x2f: {  	_ =	swait.ge [sflag:s23], $0x4000  }
0x30: {  	[sflag:s23] =	ssyncset.done $0x0  }
0x31: {  	[sflag:s23] =	ssyncadd.s32 $0xFFFFC000  }
0x32: {  	s31 =	simm.s32 $0x180;
	_ =	swait.ge [sflag:s24], $0x80  }
0x33: {  	s28 =	sand.u32 $0x7C00, s31;
	[sflag:s24] =	ssyncset.done $0x0  }
0x34: {  	s28 =	sadd.s32 s4, s28;
	s26 =	sand.u32 $0x380, s31;
	[sflag:s24] =	ssyncadd.s32 $0xFFFFFF80  }
0x35: {  	[spmem:s2] =	stream.indirect.scatter.add.f32 [tilespmem:s20], [sflag:$0x5], $0x80, s19, s17, $0xb8;
	[tilespmem:$0x1E500] =	vst v63  }
0x36: {  	s26 =	sor.u32 s26, s28;
	_ =	swait.ge [sflag:s15], $0x4000  }
0x37: {  	s26 =	sshrl.u32 s26, $0x3;
	[sflag:s15] =	ssyncset.done $0x0  }
0x38: {  	s26 =	sadd.s32 s6, s26;
	[sflag:s15] =	ssyncadd.s32 $0xFFFFC000  }
0x39: {  	[tilespmem:s19], [sflag:$0x4] =	stream.linear.gather [hbm4b:s26+s3], $0x80, $0x38;
	[tilespmem:$0x1E500] =	vst v63  }
0x3a: {  	s29 =	simm.s32 $0x200;
	s28 =	simm.s32 $0x180;
	s26 =	simm.s32 $0x280  }
.LBB2_2:
0x3b: {  	s30 =	sadd.s32 $0x80, s29  }
0x3c: {  	p0 =	sne.s32 s26, $0x2780;
	s31 =	smov.u32 s26;
	s26 =	sadd.s32 $0x100, s26  }
0x3d: {  	[tilespmem:s20], [sflag:$0x2] =	stream.indirect.gather [hbm4b:s5+s17], $0x80, s28, s17, $0xb8;
	[tilespmem:$0x1E500] =	vst v63  }
0x3e: {  	s28 =	smov.u32 s30;
	_ =	swait.ge [sflag:s21], $0x4000  }
0x3f: {  	[sflag:s21] =	ssyncset.done $0x0  }
0x40: {  	[sflag:s21] =	ssyncadd.s32 $0xFFFFC000  }
0x41: {  	_ =	swait.ge [sflag:s22], $0x80  }
0x42: {  	s30 =	sadd.s32 $0xFFFFFF80, s31;
	[sflag:s22] =	ssyncset.done $0x0  }
0x43: {  	s1 =	sand.u32 $0x7C00, s30;
	s30 =	sand.u32 $0x300, s30;
	[sflag:s22] =	ssyncadd.s32 $0xFFFFFF80  }
0x44: {  	[spmem:s2] =	stream.indirect.scatter.add.f32 [tilespmem:s18], [sflag:$0x5], $0x80, s16, s17, $0xb8;
	[tilespmem:$0x1E500] =	vst v63  }
0x45: {  	s1 =	sadd.s32 s4, s1;
	_ =	swait.ge [sflag:s15], $0x4000  }
0x46: {  	s1 =	sor.u32 s30, s1;
	[sflag:s15] =	ssyncset.done $0x0  }
0x47: {  	s1 =	sshrl.u32 s1, $0x3;
	[sflag:s15] =	ssyncadd.s32 $0xFFFFC000  }
0x48: {  	s1 =	sadd.s32 s6, s1  }
0x49: {  	[tilespmem:s16], [sflag:$0x3] =	stream.linear.gather [hbm4b:s1+s3], $0x80, $0x38;
	[tilespmem:$0x1E500] =	vst v63  }
0x4a: {  	_ = 	snop  }
0x4b: {  	[tilespmem:s18], [sflag:$0x1] =	stream.indirect.gather [hbm4b:s5+s17], $0x80, s29, s17, $0xb8;
	[tilespmem:$0x1E500] =	vst v63  }
0x4c: {  	_ =	swait.ge [sflag:s23], $0x4000  }
0x4d: {  	[sflag:s23] =	ssyncset.done $0x0  }
0x4e: {  	[sflag:s23] =	ssyncadd.s32 $0xFFFFC000  }
0x4f: {  	_ =	swait.ge [sflag:s24], $0x80  }
0x50: {  	s1 =	sand.u32 $0x7C00, s31;
	[sflag:s24] =	ssyncset.done $0x0  }
0x51: {  	s30 =	sand.u32 $0x380, s31;
	s1 =	sadd.s32 s4, s1;
	[sflag:s24] =	ssyncadd.s32 $0xFFFFFF80  }
0x52: {  	[spmem:s2] =	stream.indirect.scatter.add.f32 [tilespmem:s20], [sflag:$0x5], $0x80, s19, s17, $0xb8;
	[tilespmem:$0x1E500] =	vst v63  }
.Ltmp0:
0x53: {  	_ = 	snop;
	(pc) =	sbr.rel @p0 .LBB2_2-.Ltmp0, $4  }
0x54: {  	s1 =	sor.u32 s30, s1;
	_ =	swait.ge [sflag:s15], $0x4000  }
0x55: {  	s1 =	sshrl.u32 s1, $0x3;
	[sflag:s15] =	ssyncset.done $0x0  }
0x56: {  	s29 =	sadd.s32 $0x100, s29;
	s1 =	sadd.s32 s6, s1;
	[sflag:s15] =	ssyncadd.s32 $0xFFFFC000  }
0x57: {  	[tilespmem:s19], [sflag:$0x4] =	stream.linear.gather [hbm4b:s1+s3], $0x80, $0x38;
	[tilespmem:$0x1E500] =	vst v63  }
0x58: {  	[tilespmem:s20], [sflag:$0x2] =	stream.indirect.gather [hbm4b:s5+s17], $0x80, s28, s17, $0xb8;
	[tilespmem:$0x1E500] =	vst v63  }
0x59: {  	_ =	swait.ge [sflag:s21], $0x4000  }
0x5a: {  	[sflag:s21] =	ssyncset.done $0x0  }
0x5b: {  	[sflag:s21] =	ssyncadd.s32 $0xFFFFC000  }
0x5c: {  	_ =	swait.ge [sflag:s22], $0x80  }
0x5d: {  	[sflag:s22] =	ssyncset.done $0x0  }
0x5e: {  	[sflag:s22] =	ssyncadd.s32 $0xFFFFFF80  }
0x5f: {  	[spmem:s2] =	stream.indirect.scatter.add.f32 [tilespmem:s18], [sflag:$0x5], $0x80, s16, s17, $0xb8;
	[tilespmem:$0x1E500] =	vst v63  }
0x60: {  	_ =	swait.ge [sflag:s15], $0x4000  }
0x61: {  	[sflag:s15] =	ssyncset.done $0x0  }
0x62: {  	[sflag:s15] =	ssyncadd.s32 $0xFFFFC000  }
0x63: {  	_ =	swait.ge [sflag:s23], $0x4000  }
0x64: {  	[sflag:s23] =	ssyncset.done $0x0  }
0x65: {  	[sflag:s23] =	ssyncadd.s32 $0xFFFFC000  }
0x66: {  	_ =	swait.ge [sflag:s24], $0x80  }
0x67: {  	[sflag:s24] =	ssyncset.done $0x0  }
0x68: {  	[sflag:s24] =	ssyncadd.s32 $0xFFFFFF80  }
0x69: {  	[spmem:s2] =	stream.indirect.scatter.add.f32 [tilespmem:s20], [sflag:$0x5], $0x80, s19, s17, $0xb8;
	[tilespmem:$0x1E500] =	vst v63  }
0x6a: {  	_ =	swait.ge [sflag:s15], $0x4000  }
0x6b: {  	s25 =	sadd.s32 $0x1, s25;
	[sflag:s15] =	ssyncset.done $0x0  }
0x6c: {  	p0 =	sne.s32 s25, s13;
	[sflag:s15] =	ssyncadd.s32 $0xFFFFC000  }
.Ltmp1:
0x6d: {  	[bflag:$0x0] =	sbarrier.arrive $0xFFFF;
	(pc) =	sbr.rel @p0 .LBB2_1-.Ltmp1, $4  }
0x6e: {  	[hbm:s12], [sflag:s8] =	dma.local [spmem:s14], $0x2780  }
0x6f: {  	_ =	swait.ge [sflag:s15], $0x2780  }
0x70: {  	[sflag:s15] =	ssyncset.done $0x0  }
0x71: {  	[sflag:s15] =	ssyncadd.s32 $0xFFFFD880  }
0x72: {  	_ =	sfence.sel $0x180000  }
0x73: {  	[bflag:$0x0] =	sbarrier.arrive $0xFFFF  }
0x74: {  	_ =	strace $0x9000004D  }
0x75: {  	[bflag:$0x2] =	sbarrier.arrive $0xFFFF  }
0x76: {  	p0 =	sne.s32 s0, $0x0;
	s0 =	rddreg [dreg:$0x2]  }
0x77: {  	s0 =	sadd.s32 @!p0 $0x100000, s0  }
0x78: {  	[sflag:s0] =	ssyncadd.tile.s32 @!p0 $0x1;
	_ =	shalt  }
.Lfunc_end2:
_tile_overlayer_lowered:
.L_overlay_start_2:
0x79: {  	(tag) =	ssettag $0x2  }
0x7a: {  	s0 =	rddreg [dreg:$0x0];
	s2 =	stileid.u32  }
0x7b: {  	s1 =	rddreg [dreg:$0x1];
	p0 =	sne.s32 s2, $0x0  }
0x7c: {  	s3 =	rddreg [dreg:$0x2];
	[bflag:$0x3] =	sbarrier.arrive $0xFFFF;
	s2 =	simm.s32 @!p0 $0x1C05  }
0x7d: {  	[timem:s3], [sflag:s2] =	dma.local @!p0 [hbm:s0], s1  }
0x7e: {  	s0 =	simm.s32 @!p0 $0x5  }
0x7f: {  	_ =	swait.ge @!p0 [sflag:s0], s1  }
0x80: {  	s1 =	ssub.s32 @!p0 $0x0, s1;
	[sflag:s0] =	ssyncset.done @!p0 $0x0  }
0x81: {  	[sflag:s0] =	ssyncadd.s32 @!p0 s1  }
0x82: {  	[bflag:$0x3] =	sbarrier.arrive $0xFFFF  }
0x83: {  	_ =	shalt  }

// kernel: kernel.8.cloned.1.call-start
scs
__scs_entry_jumppad:
0x0: {  	(pc) =	sbr.rel $0x88, $3  }
0x1: {  	(tag) =	ssettag $0x0;
	lr =	simm.s32 $0x1  }
0x2: {  	[smem:$0x3F93] =	sst lr;
	_ =	strace $0xD0000000  }
0x3: {  	_ = 	snop  }
0x4: {  	_ = 	snop  }
0x5: {  	_ = 	snop  }
0x6: {  	_ = 	snop  }
0x7: {  	_ = 	snop  }
__scs_overlays_trampoline_lowered:
0x8: {  	[smem:$0x3FA2] =	sst s0  }
0x9: {  	[smem:$0x3FA3] =	sst s1  }
0xa: {  	[smem:$0x3FA4] =	sst s2  }
0xb: {  	[smem:$0x3FA5] =	sst s3  }
0xc: {  	[smem:$0x3FA6] =	sst s4  }
0xd: {  	[smem:$0x3FA7] =	sst s5  }
0xe: {  	[smem:$0x3FA8] =	sst s6  }
0xf: {  	[smem:$0x3FA9] =	sst s7  }
0x10: {  	[smem:$0x3FAA] =	sst s8  }
0x11: {  	[smem:$0x3FAB] =	sst s9;
	s0 =	simm.s32 @!p0 $0x0  }
0x12: {  	s1 =	sld [smem:$0x3F91];
	s0 =	simm.s32 @p0 $0x1  }
0x13: {  	[smem:$0x3FAC] =	sst s0;
	s0 =	simm.s32 @!p1 $0x0  }
0x14: {  	s2 =	sld [smem:$0x3F90];
	s0 =	simm.s32 @p1 $0x1  }
0x15: {  	[smem:$0x3FAD] =	sst s0;
	s0 =	simm.s32 @!p2 $0x0  }
0x16: {  	s3 =	sld [smem:$0x3FDB];
	s0 =	simm.s32 @p2 $0x1  }
0x17: {  	s4 =	simm.s32 $0x1BF5;
	[smem:$0x3FAF] =	sst s0  }
0x18: {  	s0 =	sld [smem:$0x3F92];
	_ =	swait.ge [sflag:s4], $0x0  }
0x19: {  	s7 =	sld [smem:$0x3F93]  }
0x1a: {  	s8 =	sadd.s32 $0xFFFFE003, lr  }
0x1b: {  	s9 =	sadd.s32 $0xFFFFFEF7, lr;
	s5 =	simm.s32 $0xFFFFFFFF;
	p2 =	slt.u32 s8, $0xFFFFF086  }
0x1c: {  	p1 =	slt.u32 s9, $0xF7A;
	s5 =	simm.s32 @!p2 $0x0  }
0x1d: {  	s5 =	simm.s32 @p1 $0x1;
	p0 =	seq.s32 s7, s2  }
0x1e: {  	s7 =	smul.u32 @!p0 $0xF7A, s2;
	p2 =	seq.s32 @!p0 s5, $0x0  }
0x1f: {  	s9 =	smul.u32 $0xF7A, s1;
	s8 =	simm.s32 @!p0 $0x1BF5;
	p2 =	por !p2, p0  }
0x20: {  	[sflag:s8] =	ssyncset.s32 @!p0 $0xFFFFF086;
	s6 =	sadd.s32 @!p0 s3, s7;
	s7 =	simm.s32 @!p0 $0x108  }
0x21: {  	s3 =	sadd.s32 s3, s9;
	s6 =	sadd.s32 @!p0 $0x88, s6;
	s7 =	simm.s32 @p2 $0x1082  }
0x22: {  	[simem:s7], [sflag:s8] =	dma.local @!p0 [hbm:s6], $0xF7A  }
0x23: {  	s9 =	sor.u32 $0xD0000000, s2;
	s6 =	simm.s32 $0x108;
	_ =	swait.ge @!p0 [sflag:s8], $0x0  }
0x24: {  	s3 =	sadd.s32 $0x88, s3;
	s6 =	simm.s32 @!p1 $0x1082;
	[sflag:s4] =	ssyncset.s32 $0xFFFFF086  }
0x25: {  	[simem:s6], [sflag:s4] =	dma.local [hbm:s3], $0xF7A  }
0x26: {  	[smem:$0x3F93] =	sst s1;
	(tag) =	ssettag s2;
	_ =	strace s9  }
0x27: {  	s1 =	sld [smem:$0x3FA3]  }
0x28: {  	s2 =	sld [smem:$0x3FA4]  }
0x29: {  	s4 =	sld [smem:$0x3FA6]  }
0x2a: {  	p0 =	seq.s32 s5, $0x0;
	s5 =	sld [smem:$0x3FA7]  }
0x2b: {  	s6 =	sld [smem:$0x3FA8]  }
0x2c: {  	s7 =	sld [smem:$0x3FA9]  }
0x2d: {  	s3 =	simm.s32 $0x108;
	s8 =	sld [smem:$0x3FAA]  }
0x2e: {  	s3 =	simm.s32 @!p0 $0x1082;
	s9 =	sld [smem:$0x3FAB]  }
0x2f: {  	lr =	sadd.s32 s0, s3;
	s0 =	sld [smem:$0x3FA2]  }
0x30: {  	s3 =	sld [smem:$0x3FA5]  }
0x31: {  	[smem:$0x3FAE] =	sst s10  }
0x32: {  	s10 =	sld [smem:$0x3FAC];
	_ =	sdelay $0x3  }
0x33: {  	p0 =	seq.s32 s10, $0x1;
	s10 =	sld [smem:$0x3FAE];
	_ =	sdelay $0x3  }
0x34: {  	[smem:$0x3FAE] =	sst s10  }
0x35: {  	s10 =	sld [smem:$0x3FAD];
	_ =	sdelay $0x3  }
0x36: {  	p1 =	seq.s32 s10, $0x1;
	s10 =	sld [smem:$0x3FAE];
	_ =	sdelay $0x3  }
0x37: {  	[smem:$0x3FAE] =	sst s10  }
0x38: {  	s10 =	sld [smem:$0x3FAF]  }
0x39: {  	_ = 	snop;
	(pc) =	sbr.ind lr, $3  }
0x3a: {  	_ = 	snop  }
0x3b: {  	_ = 	snop  }
0x3c: {  	p2 =	seq.s32 s10, $0x1;
	s10 =	sld [smem:$0x3FAE]  }
0x3d: {  	_ =	shalt  }
0x3e: {  	_ =	shalt  }
0x3f: {  	_ =	shalt  }
0x40: {  	_ =	shalt  }
0x41: {  	_ =	shalt  }
0x42: {  	_ =	shalt  }
0x43: {  	_ =	shalt  }
0x44: {  	_ =	shalt  }
0x45: {  	_ =	shalt  }
0x46: {  	_ =	shalt  }
0x47: {  	_ =	shalt  }
0x48: {  	_ =	shalt  }
0x49: {  	_ =	shalt  }
0x4a: {  	_ =	shalt  }
0x4b: {  	_ =	shalt  }
0x4c: {  	_ =	shalt  }
0x4d: {  	_ =	shalt  }
0x4e: {  	_ =	shalt  }
0x4f: {  	_ =	shalt  }
0x50: {  	_ =	shalt  }
0x51: {  	_ =	shalt  }
0x52: {  	_ =	shalt  }
0x53: {  	_ =	shalt  }
0x54: {  	_ =	shalt  }
0x55: {  	_ =	shalt  }
0x56: {  	_ =	shalt  }
0x57: {  	_ =	shalt  }
0x58: {  	_ =	shalt  }
0x59: {  	_ =	shalt  }
0x5a: {  	_ =	shalt  }
0x5b: {  	_ =	shalt  }
0x5c: {  	_ =	shalt  }
0x5d: {  	_ =	shalt  }
0x5e: {  	_ =	shalt  }
0x5f: {  	_ =	shalt  }
0x60: {  	_ =	shalt  }
0x61: {  	_ =	shalt  }
0x62: {  	_ =	shalt  }
0x63: {  	_ =	shalt  }
0x64: {  	_ =	shalt  }
0x65: {  	_ =	shalt  }
0x66: {  	_ =	shalt  }
0x67: {  	_ =	shalt  }
0x68: {  	_ =	shalt  }
0x69: {  	_ =	shalt  }
0x6a: {  	_ =	shalt  }
0x6b: {  	_ =	shalt  }
0x6c: {  	_ =	shalt  }
0x6d: {  	_ =	shalt  }
0x6e: {  	_ =	shalt  }
0x6f: {  	_ =	shalt  }
0x70: {  	_ =	shalt  }
0x71: {  	_ =	shalt  }
0x72: {  	_ =	shalt  }
0x73: {  	_ =	shalt  }
0x74: {  	_ =	shalt  }
0x75: {  	_ =	shalt  }
0x76: {  	_ =	shalt  }
0x77: {  	_ =	shalt  }
0x78: {  	_ =	shalt  }
0x79: {  	_ =	shalt  }
0x7a: {  	_ =	shalt  }
0x7b: {  	_ =	shalt  }
0x7c: {  	_ =	shalt  }
0x7d: {  	_ =	shalt  }
0x7e: {  	_ =	shalt  }
0x7f: {  	_ =	shalt  }
0x80: {  	_ =	shalt  }
0x81: {  	_ =	shalt  }
0x82: {  	_ =	shalt  }
0x83: {  	_ =	shalt  }
0x84: {  	_ =	shalt  }
0x85: {  	_ =	shalt  }
0x86: {  	_ =	shalt  }
0x87: {  	_ =	shalt  }
.Lfunc_end0:
.L_simem_size_0:
called_computation_lowered:
.L_overlay_start_0:
0x88: {  	s2 =	sld [smem:$0x3FD9]  }
0x89: {  	s3 =	sld [smem:$0x3FFE];
	_ =	sdelay $0x1  }
0x8a: {  	s1 =	srdreg.scid  }
0x8b: {  	s0 =	sand.u32 $0x1, s1  }
0x8c: {  	s17 =	sshll.u32 s0, $0xA;
	s2 =	sadd.s32 s3, s2  }
0x8d: {  	s2 =	sadd.s32 s2, s17  }
0x8e: {  	[smem:$0x3FBA] =	sst s2  }
0x8f: {  	_ = 	snop  }
0x90: {  	s2 =	sld [smem:$0x3FD0];
	(tm) =	ssettm $0x1  }
0x91: {  	s18 =	sld [smem:$0x3FFB];
	_ =	sdelay $0x3  }
0x92: {  	_ =	strace s18  }
0x93: {  	s3 =	sld [smem:$0x3FFC];
	_ =	sdelay $0x3  }
0x94: {  	_ =	strace s3  }
0x95: {  	s3 =	sld [smem:$0x3FFD];
	_ =	sdelay $0x3  }
0x96: {  	_ =	strace s3  }
0x97: {  	_ =	strace $0x8FFFFFFF  }
0x98: {  	s19 =	sld [smem:$0x3FDB];
	_ =	sdelay $0x1  }
0x99: {  	s4 =	simm.s32 $_scs_section_size  }
0x9a: {  	s5 =	simm.s32 $_size__tile_overlayer_lowered;
	s6 =	simm.s32 $_tile_overlayer_lowered  }
0x9b: {  	s22 =	simm.s32 $0x1BFF;
	s21 =	sshll.u32 s6, $0x1;
	s3 =	sadd.s32 s4, s19  }
0x9c: {  	s7 =	simm.s32 $0x0;
	s20 =	sshll.u32 s5, $0x1;
	s5 =	sadd.s32 s21, s3  }
0x9d: {  	[timem:s7], [sflag:s22] =	dma.local [hbm:s5], s20  }
0x9e: {  	_ =	swait.ge [sflag:s22], s20  }
0x9f: {  	s4 =	ssub.s32 $0x0, s20;
	[sflag:s22] =	ssyncset.done $0x0  }
0xa0: {  	[sflag:s22] =	ssyncadd.s32 s4;
	_ =	sdelay $0x1  }
0xa1: {  	s23 =	simm.s32 $0x1B8B  }
0xa2: {  	_ =	swait.ge [sflag:s23], $0x1  }
0xa3: {  	[sflag:s23] =	ssyncset.done $0x0  }
0xa4: {  	s25 =	simm.s32 $0x1B8E;
	s24 =	sld [smem:$0x3FFE];
	[sflag:s23] =	ssyncadd.s32 $0xFFFFFFFF  }
0xa5: {  	s26 =	simm.s32 $execute0_lowered;
	[smem:$0x3FD2] =	sst s25  }
0xa6: {  	s5 =	sshll.u32 s26, $0x1;
	_ =	strace $0x80000046;
	[dreg:$0x1] =	wrdreg $0xFFFFFFFF  }
0xa7: {  	s28 =	simm.s32 $_size_execute0_lowered;
	s3 =	sadd.s32 s3, s5;
	[dreg:$0x0] =	wrdreg $0x0  }
0xa8: {  	s5 =	sshll.u32 s28, $0x1;
	[dreg:$0x2] =	wrdreg s3  }
0xa9: {  	[dreg:$0x3] =	wrdreg s5  }
0xaa: {  	[dreg:$0x4] =	wrdreg $0xC0  }
0xab: {  	_ =	task [dreg:s7], $0x5FFFF  }
0xac: {  	[dreg:$0x1] =	wrdreg $0xFFFFFFFF  }
0xad: {  	[dreg:$0x0] =	wrdreg $0x60  }
0xae: {  	[dreg:$0x2] =	wrdreg s24  }
0xaf: {  	[dreg:$0x3] =	wrdreg s2  }
0xb0: {  	[dreg:$0x4] =	wrdreg $0x68000  }
0xb1: {  	[dreg:$0x5] =	wrdreg $0x9  }
0xb2: {  	_ =	task.clear_ibuf [dreg:s7], $0x6FFFF;
	_ =	strace $0x90000046  }
0xb3: {  	s29 =	simm.s32 $0x9;
	_ =	strace $0x80000048  }
0xb4: {  	_ =	swait.ge [sflag:s29], $0x1  }
0xb5: {  	[sflag:s29] =	ssyncadd.s32 $0xFFFFFFFF  }
0xb6: {  	_ =	strace $0x90000048  }
0xb7: {  	_ =	sfence  }
0xb8: {  	s30 =	sld [smem:$0x0];
	_ =	sdelay $0x2  }
0xb9: {  	s31 =	sshll.u32 s1, $0xD;
	s1 =	sshrl.u32 s1, $0x2  }
0xba: {  	s3 =	sand.u32 $0x4000, s31;
	s1 =	sadd.s32 s1, s30  }
0xbb: {  	s0 =	sor.u32 s3, s0;
	s1 =	sshll.u32 s1, $0x11  }
0xbc: {  	s0 =	sor.u32 s1, s0  }
0xbd: {  	s0 =	sadd.s32 $0x8F2B, s0  }
0xbe: {  	[sflag:s0] =	ssyncadd.remote.s32 $0x1  }
0xbf: {  	_ =	sfence.sel $0xFFFF  }
0xc0: {  	[dreg:$0x0] =	wrdreg $0xFFFFFFFF;
	(pc) =	sbr.abs _section_cstart, $3  }
0xc1: {  	[dreg:$0x1] =	wrdreg $0xFFFFFFFF  }
0xc2: {  	_ =	task.clear_ibuf [dreg:s7], $0x2FFFF;
	_ =	strace $0x9FFFFFFF  }
0xc3: {  	(tm) =	ssettm $0x7FFFFFFF  }
tec
execute0_lowered:
.L_overlay_start_1:
0x0: {  	(tag) =	ssettag $0x1  }
0x1: {  	s5 =	rddreg [dreg:$0x0]  }
0x2: {  	s1 =	srdreg.scid;
	s2 =	rddreg [dreg:$0x1]  }
0x3: {  	s0 =	stileid.u32;
	s3 =	rddreg [dreg:$0x2]  }
0x4: {  	s4 =	simm.s32 $0x0;
	s13 =	simm.s32 $0x80;
	s14 =	simm.s32 $0x0  }
0x5: {  	s6 =	sand.u32 $0x1, s1;
	s28 =	sshll.u32 s0, $0x1;
	s8 =	smul.u32 $0x13C00, s0  }
0x6: {  	[smem:$0x7FF] =	sst s4;
	s29 =	smul.u32 $0x4F000, s0;
	s31 =	sshll.u32 s0, $0x6  }
0x7: {  	s1 =	sor.u32 s6, s28;
	s9 =	smul.u32 $0x13C000, s6;
	s6 =	ssub.s32 $0x2, s6  }
0x8: {  	s7 =	smul.u32 $0x500, s1;
	s1 =	rddreg [dreg:$0x3];
	_ =	strace $0x80000047  }
0x9: {  	s10 =	sshrl.u32 s8, $0x3;
	s11 =	sshrl.u32 s6, $0x1;
	s30 =	sshrl.u32 s29, $0x2  }
0xa: {  	s8 =	sadd.s32 s8, s9;
	s10 =	sadd.s32 s10, s5;
	s11 =	ssub.s32 s6, s11  }
0xb: {  	s12 =	sadd.s32 s30, s3;
	s6 =	sor.u32 $0x1C01, s31;
	s7 =	sadd.s32 s7, s5  }
0xc: {  	s8 =	sshrl.u32 s8, $0x3;
	s9 =	smax.u32 s11, $0x1;
	s11 =	simm.s32 $0x1  }
0xd: {  	s8 =	sadd.s32 s8, s5;
	s5 =	sadd.s32 $0x18800, s10;
	s7 =	sadd.s32 $0x4800, s7  }
0xe: {  	s10 =	sshrl.u32 s12, $0x3;
	s12 =	simm.s32 $0x2800;
	s8 =	sadd.s32 $0x40000, s8  }
.LBB2_1:
0xf: {  	[spmem:s10], [sflag:s6] =	dma.local [hbm:s5], $0x2780  }
0x10: {  	_ =	swait.ge [sflag:s11], $0x2780  }
0x11: {  	[sflag:s11] =	ssyncset.done $0x0  }
0x12: {  	[sflag:s11] =	ssyncadd.s32 $0xFFFFD880  }
0x13: {  	[tilespmem:s4], [sflag:$0x1] =	stream.linear.gather [hbm4b:s7+s4], $0x2800, $0x38;
	[tilespmem:$0x1A400] =	vst v63  }
0x14: {  	_ =	swait.ge [sflag:s11], $0x2800  }
0x15: {  	[sflag:s11] =	ssyncset.done $0x0  }
0x16: {  	[sflag:s11] =	ssyncadd.s32 $0xFFFFD800  }
0x17: {  	[tilespmem:s12], [sflag:$0x1] =	stream.linear.gather [hbm4b:s2+s4], $0x4000, $0x38;
	[tilespmem:$0x1A400] =	vst v63  }
0x18: {  	_ =	swait.ge [sflag:s11], $0x4000  }
0x19: {  	[sflag:s11] =	ssyncset.done $0x0  }
0x1a: {  	[sflag:s11] =	ssyncadd.s32 $0xFFFFC000  }
0x1b: {  	s15 =	simm.s32 $0x0;
	[bflag:$0x0] =	sbarrier.arrive $0xFFFF  }
0x1c: {  	[spmem:s3] =	stream.indirect.scatter.add.f32 [tilespmem:s12], [sflag:$0x1], $0x80, s15, s13, $0xb8;
	[tilespmem:$0x1A400] =	vst v63  }
0x1d: {  	_ =	swait.ge [sflag:s11], $0x4000  }
0x1e: {  	s15 =	simm.s32 $0x200;
	[sflag:s11] =	ssyncset.done $0x0  }
.LBB2_2:
0x1f: {  	s16 =	sshra.s32 s15, $0x2;
	[sflag:s11] =	ssyncadd.s32 $0xFFFFC000;
	p0 =	sne.s32 s15, $0x9E00  }
0x20: {  	[spmem:s3] =	stream.indirect.scatter.add.f32 [tilespmem:s12], [sflag:$0x1], $0x80, s16, s13, $0xb8;
	[tilespmem:$0x1A400] =	vst v63  }
.Ltmp0:
0x21: {  	_ = 	snop;
	(pc) =	sbr.rel @p0 .LBB2_2-.Ltmp0, $4  }
0x22: {  	_ = 	snop  }
0x23: {  	s15 =	sadd.s32 $0x200, s15  }
0x24: {  	_ =	swait.ge [sflag:s11], $0x4000  }
0x25: {  	[sflag:s11] =	ssyncset.done $0x0  }
0x26: {  	s14 =	sadd.s32 $0x1, s14  }
0x27: {  	[sflag:s11] =	ssyncadd.s32 $0xFFFFC000;
	p0 =	sne.s32 s14, s9  }
.Ltmp1:
0x28: {  	[bflag:$0x0] =	sbarrier.arrive $0xFFFF;
	(pc) =	sbr.rel @p0 .LBB2_1-.Ltmp1, $4  }
0x29: {  	[hbm:s8], [sflag:s6] =	dma.local [spmem:s10], $0x2780  }
0x2a: {  	_ =	swait.ge [sflag:s11], $0x2780  }
0x2b: {  	[sflag:s11] =	ssyncset.done $0x0  }
0x2c: {  	[sflag:s11] =	ssyncadd.s32 $0xFFFFD880  }
0x2d: {  	_ =	sfence.sel $0x180000  }
0x2e: {  	[bflag:$0x0] =	sbarrier.arrive $0xFFFF  }
0x2f: {  	p0 =	sne.s32 s0, $0x0;
	_ =	strace $0x90000047  }
0x30: {  	s0 =	sadd.s32 @!p0 $0x100000, s1;
	[bflag:$0x2] =	sbarrier.arrive $0xFFFF  }
0x31: {  	[sflag:s0] =	ssyncadd.tile.s32 @!p0 $0x1;
	_ =	shalt  }
.Lfunc_end2:
_tile_overlayer_lowered:
.L_overlay_start_2:
0x32: {  	(tag) =	ssettag $0x2  }
0x33: {  	s0 =	rddreg [dreg:$0x0];
	s2 =	stileid.u32  }
0x34: {  	s1 =	rddreg [dreg:$0x1];
	p0 =	sne.s32 s2, $0x0  }
0x35: {  	s3 =	rddreg [dreg:$0x2];
	[bflag:$0x3] =	sbarrier.arrive $0xFFFF;
	s2 =	simm.s32 @!p0 $0x1C01  }
0x36: {  	[timem:s3], [sflag:s2] =	dma.local @!p0 [hbm:s0], s1  }
0x37: {  	s0 =	simm.s32 @!p0 $0x1  }
0x38: {  	_ =	swait.ge @!p0 [sflag:s0], s1  }
0x39: {  	s1 =	ssub.s32 @!p0 $0x0, s1;
	[sflag:s0] =	ssyncset.done @!p0 $0x0  }
0x3a: {  	[sflag:s0] =	ssyncadd.s32 @!p0 s1  }
0x3b: {  	[bflag:$0x3] =	sbarrier.arrive $0xFFFF  }
0x3c: {  	_ =	shalt  }

</sc_bundles>
